<compile_context>
chip_gen: v7x
topology: tpu7x:2x2x1
jax: 0.10.2.dev20260603
libtpu: 0.0.44.dev20260713+nightly
codegen_flags: <defaults>
</compile_context>

<pallas_src>
import functools

import jax
import jax.numpy as jnp
from jax import lax
from jax.experimental import pallas as pl
from jax.experimental.pallas import tpu as pltpu

H = 128
G4 = 4 * H
TILE = 512
T_CAP = 1024
T_FULL = 163840


def _lstm_body(xp_hbm, wih_ref, whh_ref, bias_ref, base_ref, row0_ref,
               ccnt_ref, nc_ref, h_in, c_in, h_out, c_out,
               xbuf0, xbuf1, sem0, sem1):
    h_out[...] = h_in[...]
    c_out[...] = c_in[...]
    nc = nc_ref[0]

    def dma(i, xbuf, sem):
        return pltpu.make_async_copy(
            xp_hbm.at[pl.ds(base_ref[i], TILE), :], xbuf, sem)

    def compute(i, xbuf):
        row0 = row0_ref[i]
        cnt = ccnt_ref[i]
        h = h_out[pl.ds(row0, TILE), :]
        c = c_out[pl.ds(row0, TILE), :]
        gates = (
            jnp.dot(xbuf[...], wih_ref[...],
                    preferred_element_type=jnp.float32)
            + jnp.dot(h, whh_ref[...], preferred_element_type=jnp.float32)
            + bias_ref[...])
        gi = jax.nn.sigmoid(gates[:, 0:H])
        gf = jax.nn.sigmoid(gates[:, H:2 * H])
        gg = jnp.tanh(gates[:, 2 * H:3 * H])
        go = jax.nn.sigmoid(gates[:, 3 * H:4 * H])
        c_new = gf * c + gi * gg
        h_new = go * jnp.tanh(c_new)
        valid = (row0 + lax.broadcasted_iota(jnp.int32, (TILE, 1), 0)) < cnt
        h_out[pl.ds(row0, TILE), :] = jnp.where(valid, h_new, h)
        c_out[pl.ds(row0, TILE), :] = jnp.where(valid, c_new, c)

    @pl.when(nc > 0)
    def _prologue():
        dma(0, xbuf0, sem0).start()

    def pair(j, carry):
        i0 = 2 * j
        i1 = i0 + 1

        @pl.when(i1 < nc)
        def _():
            dma(i1, xbuf1, sem1).start()

        dma(i0, xbuf0, sem0).wait()
        compute(i0, xbuf0)

        @pl.when(i1 < nc)
        def _():
            @pl.when(i1 + 1 < nc)
            def _():
                dma(i1 + 1, xbuf0, sem0).start()
            dma(i1, xbuf1, sem1).wait()
            compute(i1, xbuf1)

        return carry

    lax.fori_loop(0, lax.div(nc + 1, 2), pair, 0)


def _run_lstm(xp, wih_t, whh_t, bias, base_c, row0_c, cnt_c, nc, h0, c0,
              *, interpret=False):
    n_pad = h0.shape[0]
    out_sd = jax.ShapeDtypeStruct((n_pad, H), jnp.float32)
    return pl.pallas_call(
        _lstm_body,
        in_specs=[
            pl.BlockSpec(memory_space=pl.ANY),
            pl.BlockSpec(memory_space=pltpu.VMEM),
            pl.BlockSpec(memory_space=pltpu.VMEM),
            pl.BlockSpec(memory_space=pltpu.VMEM),
            pl.BlockSpec(memory_space=pltpu.SMEM),
            pl.BlockSpec(memory_space=pltpu.SMEM),
            pl.BlockSpec(memory_space=pltpu.SMEM),
            pl.BlockSpec(memory_space=pltpu.SMEM),
            pl.BlockSpec(memory_space=pltpu.VMEM),
            pl.BlockSpec(memory_space=pltpu.VMEM),
        ],
        out_specs=[pl.BlockSpec(memory_space=pltpu.VMEM)] * 2,
        out_shape=[out_sd, out_sd],
        scratch_shapes=[pltpu.VMEM((TILE, H), jnp.float32),
                        pltpu.VMEM((TILE, H), jnp.float32),
                        pltpu.SemaphoreType.DMA,
                        pltpu.SemaphoreType.DMA],
        interpret=interpret,
    )(xp, wih_t, whh_t, bias, base_c, row0_c, cnt_c, nc, h0, c0)


def _fc_body(x_ref, hn_ref, ws_ref, wn_ref, b_ref, o_ref, *, act):
    y = (jnp.dot(x_ref[...], ws_ref[...], preferred_element_type=jnp.float32)
         + jnp.dot(hn_ref[...], wn_ref[...], preferred_element_type=jnp.float32)
         + b_ref[...])
    o_ref[...] = act(y)


def _run_fc(x, h_nat, ws_t, wn_t, b, act, *, interpret=False):
    n = x.shape[0]
    d = x.shape[1]
    wout = ws_t.shape[1]
    blk = n
    for cand in (2000, 1000, 500, 250, 200, 125, 100, 50, 25, 10, 8, 5, 4, 2, 1):
        if n % cand == 0:
            blk = cand
            break
    grid = (n // blk,)
    return pl.pallas_call(
        functools.partial(_fc_body, act=act),
        grid=grid,
        in_specs=[
            pl.BlockSpec((blk, d), lambda i: (i, 0)),
            pl.BlockSpec((blk, H), lambda i: (i, 0)),
            pl.BlockSpec((d, wout), lambda i: (0, 0)),
            pl.BlockSpec((H, wout), lambda i: (0, 0)),
            pl.BlockSpec((1, wout), lambda i: (0, 0)),
        ],
        out_specs=pl.BlockSpec((blk, wout), lambda i: (i, 0)),
        out_shape=jax.ShapeDtypeStruct((n, wout), jnp.float32),
        interpret=interpret,
    )(x, h_nat, ws_t, wn_t, b)


def _preprocess(dst, n):
    e = dst.shape[0]
    deg = jnp.zeros(n, jnp.int32).at[dst].add(1)
    order = jnp.argsort(dst)
    dst_s = dst[order]
    offsets = jnp.cumsum(deg) - deg
    r = jnp.arange(e, dtype=jnp.int32) - offsets[dst_s].astype(jnp.int32)
    node_order = jnp.argsort(-deg)
    rank = jnp.zeros(n, jnp.int32).at[node_order].set(
        jnp.arange(n, dtype=jnp.int32))
    hist = jnp.zeros(T_FULL, jnp.int32).at[deg].add(1)
    cnt_full = (n - jnp.cumsum(hist)).astype(jnp.int32)
    cum_full = jnp.concatenate(
        [jnp.zeros(1, jnp.int32), jnp.cumsum(cnt_full)[:-1].astype(jnp.int32)])
    pos = cum_full[r] + rank[dst_s]
    maxdeg = jnp.max(deg)
    return order, rank, cnt_full, cum_full, pos, maxdeg


def _chunk_meta(cnt_k, off_k, nchunk_cap):
    nch = lax.div(cnt_k + TILE - 1, TILE)
    cumch = jnp.cumsum(nch)
    nc = cumch[-1]
    ii = jnp.arange(nchunk_cap, dtype=jnp.int32)
    s = jnp.searchsorted(cumch, ii, side='right').astype(jnp.int32)
    s_cl = jnp.minimum(s, T_CAP - 1)
    prev = jnp.where(s > 0, cumch[jnp.maximum(s - 1, 0)], 0)
    m = ii - prev
    live = ii < nc
    base_c = jnp.where(live, off_k[s_cl] + m * TILE, 0)
    row0_c = jnp.where(live, m * TILE, 0)
    cnt_c = jnp.where(live, cnt_k[s_cl], 0)
    return base_c, row0_c, cnt_c, nc.reshape(1)


def _layer(x_in, packed_src, rank, cnt_full, cum_full, maxdeg, n_pad,
           nchunk_cap, W_ih, W_hh, b_ih, b_hh, fc_self_W, fc_self_b,
           fc_neigh_W, act, interpret=False):
    xp = x_in[packed_src]
    wih_t = W_ih.T
    whh_t = W_hh.T
    bias = (b_ih + b_hh).reshape(1, G4)
    h0 = jnp.zeros((n_pad, H), jnp.float32)
    c0 = jnp.zeros((n_pad, H), jnp.float32)
    n_outer = (maxdeg + T_CAP - 1) // T_CAP

    def body(k, hc):
        hh, cc = hc
        cnt_k = lax.dynamic_slice(cnt_full, (k * T_CAP,), (T_CAP,))
        off_k = lax.dynamic_slice(cum_full, (k * T_CAP,), (T_CAP,))
        base_c, row0_c, cnt_c, nc = _chunk_meta(cnt_k, off_k, nchunk_cap)
        hh, cc = _run_lstm(xp, wih_t, whh_t, bias, base_c, row0_c, cnt_c, nc,
                           hh, cc, interpret=interpret)
        return (hh, cc)

    h_fin, _ = lax.fori_loop(0, n_outer, body, (h0, c0))
    h_nat = h_fin[rank]

    wout = fc_self_W.shape[0]
    wout_pad = max(8, wout)
    ws_t = jnp.zeros((x_in.shape[1], wout_pad), jnp.float32).at[:, :wout].set(
        fc_self_W.T)
    wn_t = jnp.zeros((H, wout_pad), jnp.float32).at[:, :wout].set(fc_neigh_W.T)
    b = jnp.zeros((1, wout_pad), jnp.float32).at[0, :wout].set(fc_self_b)
    out = _run_fc(x_in, h_nat, ws_t, wn_t, b, act, interpret=interpret)
    return out[:, :wout]


def _kernel_impl(x, edge_index, W_ih1, W_hh1, b_ih1, b_hh1, fc_self_W1,
                 fc_self_b1, fc_neigh_W1, W_ih2, W_hh2, b_ih2, b_hh2,
                 fc_self_W2, fc_self_b2, fc_neigh_W2, interpret=False):
    n = x.shape[0]
    e = edge_index.shape[1]
    src = edge_index[0]
    dst = edge_index[1]
    e_pad = ((e + 2 * TILE + 7) // 8) * 8
    n_pad = ((n + TILE - 1) // TILE) * TILE
    nchunk_cap = (e + TILE - 1) // TILE + T_CAP + 8

    order, rank, cnt_full, cum_full, pos, maxdeg = _preprocess(dst, n)
    src_s = src[order]
    packed_src = jnp.zeros(e_pad, jnp.int32).at[pos].set(src_s)

    h1 = _layer(x, packed_src, rank, cnt_full, cum_full, maxdeg, n_pad,
                nchunk_cap, W_ih1, W_hh1, b_ih1, b_hh1, fc_self_W1,
                fc_self_b1, fc_neigh_W1, jax.nn.relu, interpret=interpret)
    out = _layer(h1, packed_src, rank, cnt_full, cum_full, maxdeg, n_pad,
                 nchunk_cap, W_ih2, W_hh2, b_ih2, b_hh2, fc_self_W2,
                 fc_self_b2, fc_neigh_W2, jax.nn.sigmoid, interpret=interpret)
    return out


def kernel(x, edge_index, W_ih1, W_hh1, b_ih1, b_hh1, fc_self_W1, fc_self_b1,
           fc_neigh_W1, W_ih2, W_hh2, b_ih2, b_hh2, fc_self_W2, fc_self_b2,
           fc_neigh_W2):
    return _kernel_impl(x, edge_index, W_ih1, W_hh1, b_ih1, b_hh1, fc_self_W1,
                        fc_self_b1, fc_neigh_W1, W_ih2, W_hh2, b_ih2, b_hh2,
                        fc_self_W2, fc_self_b2, fc_neigh_W2)

# --- scband reference (transcript-rebuilt; emitter-appended) ---
"""Pipeline reference for scband-prog-gnn-4853313044745 (READ-ONLY COPY).

The authoritative reference and input builder live on the scoring server;
editing this copy changes nothing except your own understanding.
"""

import jax, jax.numpy as jnp
import numpy as np

N = 10000
E = 160000
D = 128
H = 128


def setup_inputs(seed: int = 0) -> dict:
    key = jax.random.key(seed)
    ks = jax.random.split(key, 20)

    def p(k, shape):
        return jax.random.normal(k, shape, dtype=jnp.float32) * 0.1

    inp = {}
    inp['x'] = jax.random.normal(ks[0], (N, D), dtype=jnp.float32)
    inp['edge_index'] = jax.random.randint(ks[1], (2, E), 0, N, dtype=jnp.int32)
    # Layer 1: SAGEConv(128 -> 128, aggregator='lstm', activation=relu)
    inp['W_ih1'] = p(ks[2], (4 * H, D))
    inp['W_hh1'] = p(ks[3], (4 * H, H))
    inp['b_ih1'] = p(ks[4], (4 * H,))
    inp['b_hh1'] = p(ks[5], (4 * H,))
    inp['fc_self_W1'] = p(ks[6], (H, D))
    inp['fc_self_b1'] = p(ks[7], (H,))
    inp['fc_neigh_W1'] = p(ks[8], (H, H))
    # Layer 2: SAGEConv(128 -> 1, aggregator='lstm', activation=sigmoid)
    inp['W_ih2'] = p(ks[9], (4 * H, H))
    inp['W_hh2'] = p(ks[10], (4 * H, H))
    inp['b_ih2'] = p(ks[11], (4 * H,))
    inp['b_hh2'] = p(ks[12], (4 * H,))
    inp['fc_self_W2'] = p(ks[13], (1, H))
    inp['fc_self_b2'] = p(ks[14], (1,))
    inp['fc_neigh_W2'] = p(ks[15], (1, H))
    return inp


def sage_lstm_layer(x, edge_index, W_ih, W_hh, b_ih, b_hh, fc_self_W, fc_self_b, fc_neigh_W, act):
    # DGL SAGEConv with 'lstm' aggregator: per-dst-node LSTM over neighbor
    # (src) features, take final hidden state, then fc_self(x) + fc_neigh(h).
    n, d = x.shape
    src = edge_index[0]
    dst = edge_index[1]
    e = src.shape[0]
    deg = jnp.bincount(dst, length=n)
    maxdeg = jnp.max(deg)
    order = jnp.argsort(dst)  # stable sort groups edges by dst
    src_s = src[order]
    offsets = jnp.cumsum(deg) - deg

    h_dim = W_hh.shape[1]

    def step(t, carry):
        h, c = carry
        idx = jnp.clip(offsets + t, 0, e - 1)
        x_t = x[src_s[idx]]
        m_t = t < deg
        gates = x_t @ W_ih.T + b_ih + h @ W_hh.T + b_hh
        i, f, g, o = jnp.split(gates, 4, axis=-1)
        i = jax.nn.sigmoid(i)
        f = jax.nn.sigmoid(f)
        g = jnp.tanh(g)
        o = jax.nn.sigmoid(o)
        c_new = f * c + i * g
        h_new = o * jnp.tanh(c_new)
        m = m_t[:, None]
        return (jnp.where(m, h_new, h), jnp.where(m, c_new, c))

    h0 = jnp.zeros((n, h_dim), x.dtype)
    c0 = jnp.zeros((n, h_dim), x.dtype)
    h_fin, _ = jax.lax.fori_loop(0, maxdeg, step, (h0, c0))

    h_neigh = h_fin @ fc_neigh_W.T
    h_self = x @ fc_self_W.T + fc_self_b
    return act(h_self + h_neigh)


def reference(x, edge_index, W_ih1, W_hh1, b_ih1, b_hh1, fc_self_W1, fc_self_b1, fc_neigh_W1, W_ih2, W_hh2, b_ih2, b_hh2, fc_self_W2, fc_self_b2, fc_neigh_W2):
    h = sage_lstm_layer(x, edge_index, W_ih1, W_hh1, b_ih1, b_hh1, fc_self_W1, fc_self_b1, fc_neigh_W1, jax.nn.relu)
    out = sage_lstm_layer(h, edge_index, W_ih2, W_hh2, b_ih2, b_hh2, fc_self_W2, fc_self_b2, fc_neigh_W2, jax.nn.sigmoid)
    return out

if __name__ == "__main__":
    import jax
    _d = setup_inputs()
    print(jax.jit(kernel)(*tuple(_d.values())))

</pallas_src>

<mosaic_0001>
module attributes {stable_mosaic.version = 14 : i64} {
  func.func @_lstm_body(%arg0: memref<161024x128xf32, #tpu.memory_space<any>>, %arg1: memref<128x512xf32, #tpu.memory_space<vmem>>, %arg2: memref<128x512xf32, #tpu.memory_space<vmem>>, %arg3: memref<1x512xf32, #tpu.memory_space<vmem>>, %arg4: memref<1345xi32, #tpu.memory_space<smem>>, %arg5: memref<1345xi32, #tpu.memory_space<smem>>, %arg6: memref<1345xi32, #tpu.memory_space<smem>>, %arg7: memref<1xi32, #tpu.memory_space<smem>>, %arg8: memref<10240x128xf32, #tpu.memory_space<vmem>>, %arg9: memref<10240x128xf32, #tpu.memory_space<vmem>>, %arg10: memref<10240x128xf32, #tpu.memory_space<vmem>>, %arg11: memref<10240x128xf32, #tpu.memory_space<vmem>>, %arg12: memref<512x128xf32, #tpu.memory_space<vmem>>, %arg13: memref<512x128xf32, #tpu.memory_space<vmem>>, %arg14: memref<!tpu.dma_semaphore, #tpu.memory_space<semaphore_mem>>, %arg15: memref<!tpu.dma_semaphore, #tpu.memory_space<semaphore_mem>>) attributes {dimension_semantics = [], scalar_prefetch = 0 : i64, scratch_operands = 4 : i64, tpu.core_type = #tpu.core_type<tc>} {
    %get3A = arith.constant 0 : index
    %get3A_0 = arith.constant 0 : index
    %get3A_1 = vector.load %arg8[%get3A, %get3A_0] : memref<10240x128xf32, #tpu.memory_space<vmem>>, vector<10240x128xf32>
    %swap3A = arith.constant 0 : index
    %swap3A_2 = arith.constant 0 : index
    %swap3A_3 = vector.load %arg10[%swap3A, %swap3A_2] : memref<10240x128xf32, #tpu.memory_space<vmem>>, vector<10240x128xf32>
    tpu.vector_store %arg10[%swap3A, %swap3A_2], %get3A_1 {strides = array<i32>} : memref<10240x128xf32, #tpu.memory_space<vmem>>, vector<10240x128xf32>,
    %get3A_4 = arith.constant 0 : index
    %get3A_5 = arith.constant 0 : index
    %get3A_6 = vector.load %arg9[%get3A_4, %get3A_5] : memref<10240x128xf32, #tpu.memory_space<vmem>>, vector<10240x128xf32>
    %swap3A_7 = arith.constant 0 : index
    %swap3A_8 = arith.constant 0 : index
    %swap3A_9 = vector.load %arg11[%swap3A_7, %swap3A_8] : memref<10240x128xf32, #tpu.memory_space<vmem>>, vector<10240x128xf32>
    tpu.vector_store %arg11[%swap3A_7, %swap3A_8], %get3A_6 {strides = array<i32>} : memref<10240x128xf32, #tpu.memory_space<vmem>>, vector<10240x128xf32>,
    %get3A_10 = arith.constant 0 : index
    %get3A_11 = memref.load %arg7[%get3A_10] : memref<1xi32, #tpu.memory_space<smem>>
    %gt3A = arith.constant 0 : i32
    %gt3A_12 = arith.cmpi sgt, %get3A_11, %gt3A : i32
    %convert_element_type3A = arith.extui %gt3A_12 : i1 to i32
    %cond3A = arith.constant 0 : i32
    %cond3A_13 = arith.cmpi ne, %convert_element_type3A, %cond3A : i32
    scf.if %cond3A_13 {
      %get3A_25 = arith.constant 0 : index
      %get3A_26 = memref.load %arg4[%get3A_25] : memref<1345xi32, #tpu.memory_space<smem>>
      %dma_start3A = arith.constant 0 : i32
      %dma_start3A_27 = tpu.memref_slice %arg0[%get3A_26, %dma_start3A] : memref<161024x128xf32, #tpu.memory_space<any>> -> memref<512x128xf32, #tpu.memory_space<any>>
      tpu.enqueue_dma source(%dma_start3A_27 : memref<512x128xf32, #tpu.memory_space<any>>) target(%arg12 : memref<512x128xf32, #tpu.memory_space<vmem>>) target_semaphore(%arg14 : memref<!tpu.dma_semaphore, #tpu.memory_space<semaphore_mem>>)
    } else {
    }
    %add3A = arith.constant 1 : i32
    %add3A_14 = arith.addi %get3A_11, %add3A : i32
    %div3A = arith.constant 2 : i32
    %div3A_15 = arith.divsi %add3A_14, %div3A : i32
    %while3A = arith.constant 0 : i32
    %while3A_16 = arith.constant 0 : i32
    %while3A_17 = arith.subi %div3A_15, %while3A_16 : i32
    %while3A_18 = arith.addi %while3A_16, %while3A_17 : i32
    %while3A_19 = arith.constant 1 : i32
    %while3A_20 = arith.divsi %while3A_17, %while3A_19 : i32
    %while3A_21 = arith.muli %while3A_20, %while3A_19 : i32
    %while3A_22 = arith.addi %while3A_16, %while3A_21 : i32
    %while3A_23 = arith.constant 1 : i32
    scf.for %while3A_25 = %while3A_16 to %while3A_22 step %while3A_23  : i32 {
      %mul3A = arith.constant 2 : i32
      %mul3A_26 = arith.muli %mul3A, %while3A_25 : i32
      %add3A_27 = arith.constant 1 : i32
      %add3A_28 = arith.addi %mul3A_26, %add3A_27 : i32
      %lt3A = arith.cmpi slt, %add3A_28, %get3A_11 : i32
      %convert_element_type3A_29 = arith.extui %lt3A : i1 to i32
      %cond3A_30 = arith.constant 0 : i32
      %cond3A_31 = arith.cmpi ne, %convert_element_type3A_29, %cond3A_30 : i32
      scf.if %cond3A_31 {
        %get3A_106 = arith.index_cast %add3A_28 : i32 to index
        %get3A_107 = memref.load %arg4[%get3A_106] : memref<1345xi32, #tpu.memory_space<smem>>
        %dma_start3A = arith.constant 0 : i32
        %dma_start3A_108 = tpu.memref_slice %arg0[%get3A_107, %dma_start3A] : memref<161024x128xf32, #tpu.memory_space<any>> -> memref<512x128xf32, #tpu.memory_space<any>>
        tpu.enqueue_dma source(%dma_start3A_108 : memref<512x128xf32, #tpu.memory_space<any>>) target(%arg13 : memref<512x128xf32, #tpu.memory_space<vmem>>) target_semaphore(%arg15 : memref<!tpu.dma_semaphore, #tpu.memory_space<semaphore_mem>>)
      } else {
      }
      %get3A_32 = arith.index_cast %mul3A_26 : i32 to index
      %get3A_33 = memref.load %arg4[%get3A_32] : memref<1345xi32, #tpu.memory_space<smem>>
      %dma_wait3A = arith.constant 0 : i32
      %dma_wait3A_34 = tpu.memref_slice %arg0[%get3A_33, %dma_wait3A] : memref<161024x128xf32, #tpu.memory_space<any>> -> memref<512x128xf32, #tpu.memory_space<any>>
      tpu.wait_dma2 semaphore(%arg14 : memref<!tpu.dma_semaphore, #tpu.memory_space<semaphore_mem>>) src(%dma_wait3A_34 : memref<512x128xf32, #tpu.memory_space<any>>) dst(%arg12 : memref<512x128xf32, #tpu.memory_space<vmem>>)
      %get3A_35 = arith.index_cast %mul3A_26 : i32 to index
      %get3A_36 = memref.load %arg5[%get3A_35] : memref<1345xi32, #tpu.memory_space<smem>>
      %get3A_37 = arith.index_cast %mul3A_26 : i32 to index
      %get3A_38 = memref.load %arg6[%get3A_37] : memref<1345xi32, #tpu.memory_space<smem>>
      %get3A_39 = arith.index_cast %get3A_36 : i32 to index
      %get3A_40 = arith.constant 0 : index
      %get3A_41 = vector.load %arg10[%get3A_39, %get3A_40] : memref<10240x128xf32, #tpu.memory_space<vmem>>, vector<512x128xf32>
      %get3A_42 = arith.index_cast %get3A_36 : i32 to index
      %get3A_43 = arith.constant 0 : index
      %get3A_44 = vector.load %arg11[%get3A_42, %get3A_43] : memref<10240x128xf32, #tpu.memory_space<vmem>>, vector<512x128xf32>
      %get3A_45 = arith.constant 0 : index
      %get3A_46 = arith.constant 0 : index
      %get3A_47 = vector.load %arg12[%get3A_45, %get3A_46] : memref<512x128xf32, #tpu.memory_space<vmem>>, vector<512x128xf32>
      %get3A_48 = arith.constant 0 : index
      %get3A_49 = arith.constant 0 : index
      %get3A_50 = vector.load %arg1[%get3A_48, %get3A_49] : memref<128x512xf32, #tpu.memory_space<vmem>>, vector<128x512xf32>
      %dot_general3A = arith.constant dense<0.000000e+00> : vector<512x512xf32>
      %dot_general3A_51 = tpu.matmul %get3A_47, %get3A_50, %dot_general3A {dimension_numbers = #tpu.dot_dimension_numbers<[1], [0], [0], [1], [0, 0, 1, 1], [], []>, transpose_lhs_hint = false} : vector<512x128xf32>, vector<128x512xf32>, vector<512x512xf32> -> vector<512x512xf32>
      %get3A_52 = arith.constant 0 : index
      %get3A_53 = arith.constant 0 : index
      %get3A_54 = vector.load %arg2[%get3A_52, %get3A_53] : memref<128x512xf32, #tpu.memory_space<vmem>>, vector<128x512xf32>
      %dot_general3A_55 = arith.constant dense<0.000000e+00> : vector<512x512xf32>
      %dot_general3A_56 = tpu.matmul %get3A_41, %get3A_54, %dot_general3A_55 {dimension_numbers = #tpu.dot_dimension_numbers<[1], [0], [0], [1], [0, 0, 1, 1], [], []>, transpose_lhs_hint = false} : vector<512x128xf32>, vector<128x512xf32>, vector<512x512xf32> -> vector<512x512xf32>
      %add3A_57 = arith.addf %dot_general3A_51, %dot_general3A_56 : vector<512x512xf32>
      %get3A_58 = arith.constant 0 : index
      %get3A_59 = arith.constant 0 : index
      %get3A_60 = vector.load %arg3[%get3A_58, %get3A_59] : memref<1x512xf32, #tpu.memory_space<vmem>>, vector<1x512xf32>
      %add3A_61 = vector.broadcast %get3A_60 : vector<1x512xf32> to vector<512x512xf32>
      %add3A_62 = arith.addf %add3A_57, %add3A_61 : vector<512x512xf32>
      %slice3A = vector.extract_strided_slice %add3A_62 {offsets = [0, 0], sizes = [512, 128], strides = [1, 1]} : vector<512x512xf32> to vector<512x128xf32>
      %logistic3A = arith.negf %slice3A : vector<512x128xf32>
      %logistic3A_63 = math.exp %logistic3A : vector<512x128xf32>
      %logistic3A_64 = arith.constant 1.000000e+00 : f32
      %logistic3A_65 = vector.broadcast %logistic3A_64 : f32 to vector<512x128xf32>
      %logistic3A_66 = arith.addf %logistic3A_65, %logistic3A_63 : vector<512x128xf32>
      %logistic3A_67 = arith.divf %logistic3A_65, %logistic3A_66 : vector<512x128xf32>
      %slice3A_68 = vector.extract_strided_slice %add3A_62 {offsets = [0, 128], sizes = [512, 128], strides = [1, 1]} : vector<512x512xf32> to vector<512x128xf32>
      %logistic3A_69 = arith.negf %slice3A_68 : vector<512x128xf32>
      %logistic3A_70 = math.exp %logistic3A_69 : vector<512x128xf32>
      %logistic3A_71 = arith.constant 1.000000e+00 : f32
      %logistic3A_72 = vector.broadcast %logistic3A_71 : f32 to vector<512x128xf32>
      %logistic3A_73 = arith.addf %logistic3A_72, %logistic3A_70 : vector<512x128xf32>
      %logistic3A_74 = arith.divf %logistic3A_72, %logistic3A_73 : vector<512x128xf32>
      %slice3A_75 = vector.extract_strided_slice %add3A_62 {offsets = [0, 256], sizes = [512, 128], strides = [1, 1]} : vector<512x512xf32> to vector<512x128xf32>
      %tanh3A = math.tanh %slice3A_75 : vector<512x128xf32>
      %slice3A_76 = vector.extract_strided_slice %add3A_62 {offsets = [0, 384], sizes = [512, 128], strides = [1, 1]} : vector<512x512xf32> to vector<512x128xf32>
      %logistic3A_77 = arith.negf %slice3A_76 : vector<512x128xf32>
      %logistic3A_78 = math.exp %logistic3A_77 : vector<512x128xf32>
      %logistic3A_79 = arith.constant 1.000000e+00 : f32
      %logistic3A_80 = vector.broadcast %logistic3A_79 : f32 to vector<512x128xf32>
      %logistic3A_81 = arith.addf %logistic3A_80, %logistic3A_78 : vector<512x128xf32>
      %logistic3A_82 = arith.divf %logistic3A_80, %logistic3A_81 : vector<512x128xf32>
      %mul3A_83 = arith.mulf %logistic3A_74, %get3A_44 : vector<512x128xf32>
      %mul3A_84 = arith.mulf %logistic3A_67, %tanh3A : vector<512x128xf32>
      %add3A_85 = arith.addf %mul3A_83, %mul3A_84 : vector<512x128xf32>
      %tanh3A_86 = math.tanh %add3A_85 : vector<512x128xf32>
      %mul3A_87 = arith.mulf %logistic3A_82, %tanh3A_86 : vector<512x128xf32>
      %iota3A = tpu.iota {dimensions = array<i32: 0>} : vector<512x1xi32>
      %add3A_88 = vector.broadcast %get3A_36 : i32 to vector<512x1xi32>
      %add3A_89 = arith.addi %add3A_88, %iota3A : vector<512x1xi32>
      %lt3A_90 = vector.broadcast %get3A_38 : i32 to vector<512x1xi32>
      %lt3A_91 = arith.cmpi slt, %add3A_89, %lt3A_90 : vector<512x1xi32>
      %broadcast_in_dim3A = vector.shape_cast %lt3A_91 : vector<512x1xi1> to vector<512x1xi1>
      %broadcast_in_dim3A_92 = vector.broadcast %broadcast_in_dim3A : vector<512x1xi1> to vector<512x128xi1>
      %select_n3A = arith.select %broadcast_in_dim3A_92, %mul3A_87, %get3A_41 : vector<512x128xi1>, vector<512x128xf32>
      %swap3A_93 = arith.index_cast %get3A_36 : i32 to index
      %swap3A_94 = arith.constant 0 : index
      %swap3A_95 = vector.load %arg10[%swap3A_93, %swap3A_94] : memref<10240x128xf32, #tpu.memory_space<vmem>>, vector<512x128xf32>
      tpu.vector_store %arg10[%swap3A_93, %swap3A_94], %select_n3A {strides = array<i32>} : memref<10240x128xf32, #tpu.memory_space<vmem>>, vector<512x128xf32>,
      %broadcast_in_dim3A_96 = vector.shape_cast %lt3A_91 : vector<512x1xi1> to vector<512x1xi1>
      %broadcast_in_dim3A_97 = vector.broadcast %broadcast_in_dim3A_96 : vector<512x1xi1> to vector<512x128xi1>
      %select_n3A_98 = arith.select %broadcast_in_dim3A_97, %add3A_85, %get3A_44 : vector<512x128xi1>, vector<512x128xf32>
      %swap3A_99 = arith.index_cast %get3A_36 : i32 to index
      %swap3A_100 = arith.constant 0 : index
      %swap3A_101 = vector.load %arg11[%swap3A_99, %swap3A_100] : memref<10240x128xf32, #tpu.memory_space<vmem>>, vector<512x128xf32>
      tpu.vector_store %arg11[%swap3A_99, %swap3A_100], %select_n3A_98 {strides = array<i32>} : memref<10240x128xf32, #tpu.memory_space<vmem>>, vector<512x128xf32>,
      %lt3A_102 = arith.cmpi slt, %add3A_28, %get3A_11 : i32
      %convert_element_type3A_103 = arith.extui %lt3A_102 : i1 to i32
      %cond3A_104 = arith.constant 0 : i32
      %cond3A_105 = arith.cmpi ne, %convert_element_type3A_103, %cond3A_104 : i32
      scf.if %cond3A_105 {
        %add3A_106 = arith.constant 1 : i32
        %add3A_107 = arith.addi %add3A_28, %add3A_106 : i32
        %lt3A_108 = arith.cmpi slt, %add3A_107, %get3A_11 : i32
        %convert_element_type3A_109 = arith.extui %lt3A_108 : i1 to i32
        %cond3A_110 = arith.constant 0 : i32
        %cond3A_111 = arith.cmpi ne, %convert_element_type3A_109, %cond3A_110 : i32
        scf.if %cond3A_111 {
          %add3A_190 = arith.constant 1 : i32
          %add3A_191 = arith.addi %add3A_28, %add3A_190 : i32
          %get3A_192 = arith.index_cast %add3A_191 : i32 to index
          %get3A_193 = memref.load %arg4[%get3A_192] : memref<1345xi32, #tpu.memory_space<smem>>
          %dma_start3A = arith.constant 0 : i32
          %dma_start3A_194 = tpu.memref_slice %arg0[%get3A_193, %dma_start3A] : memref<161024x128xf32, #tpu.memory_space<any>> -> memref<512x128xf32, #tpu.memory_space<any>>
          tpu.enqueue_dma source(%dma_start3A_194 : memref<512x128xf32, #tpu.memory_space<any>>) target(%arg12 : memref<512x128xf32, #tpu.memory_space<vmem>>) target_semaphore(%arg14 : memref<!tpu.dma_semaphore, #tpu.memory_space<semaphore_mem>>)
        } else {
        }
        %get3A_112 = arith.index_cast %add3A_28 : i32 to index
        %get3A_113 = memref.load %arg4[%get3A_112] : memref<1345xi32, #tpu.memory_space<smem>>
        %dma_wait3A_114 = arith.constant 0 : i32
        %dma_wait3A_115 = tpu.memref_slice %arg0[%get3A_113, %dma_wait3A_114] : memref<161024x128xf32, #tpu.memory_space<any>> -> memref<512x128xf32, #tpu.memory_space<any>>
        tpu.wait_dma2 semaphore(%arg15 : memref<!tpu.dma_semaphore, #tpu.memory_space<semaphore_mem>>) src(%dma_wait3A_115 : memref<512x128xf32, #tpu.memory_space<any>>) dst(%arg13 : memref<512x128xf32, #tpu.memory_space<vmem>>)
        %get3A_116 = arith.index_cast %add3A_28 : i32 to index
        %get3A_117 = memref.load %arg5[%get3A_116] : memref<1345xi32, #tpu.memory_space<smem>>
        %get3A_118 = arith.index_cast %add3A_28 : i32 to index
        %get3A_119 = memref.load %arg6[%get3A_118] : memref<1345xi32, #tpu.memory_space<smem>>
        %get3A_120 = arith.index_cast %get3A_117 : i32 to index
        %get3A_121 = arith.constant 0 : index
        %get3A_122 = vector.load %arg10[%get3A_120, %get3A_121] : memref<10240x128xf32, #tpu.memory_space<vmem>>, vector<512x128xf32>
        %get3A_123 = arith.index_cast %get3A_117 : i32 to index
        %get3A_124 = arith.constant 0 : index
        %get3A_125 = vector.load %arg11[%get3A_123, %get3A_124] : memref<10240x128xf32, #tpu.memory_space<vmem>>, vector<512x128xf32>
        %get3A_126 = arith.constant 0 : index
        %get3A_127 = arith.constant 0 : index
        %get3A_128 = vector.load %arg13[%get3A_126, %get3A_127] : memref<512x128xf32, #tpu.memory_space<vmem>>, vector<512x128xf32>
        %get3A_129 = arith.constant 0 : index
        %get3A_130 = arith.constant 0 : index
        %get3A_131 = vector.load %arg1[%get3A_129, %get3A_130] : memref<128x512xf32, #tpu.memory_space<vmem>>, vector<128x512xf32>
        %dot_general3A_132 = arith.constant dense<0.000000e+00> : vector<512x512xf32>
        %dot_general3A_133 = tpu.matmul %get3A_128, %get3A_131, %dot_general3A_132 {dimension_numbers = #tpu.dot_dimension_numbers<[1], [0], [0], [1], [0, 0, 1, 1], [], []>, transpose_lhs_hint = false} : vector<512x128xf32>, vector<128x512xf32>, vector<512x512xf32> -> vector<512x512xf32>
        %get3A_134 = arith.constant 0 : index
        %get3A_135 = arith.constant 0 : index
        %get3A_136 = vector.load %arg2[%get3A_134, %get3A_135] : memref<128x512xf32, #tpu.memory_space<vmem>>, vector<128x512xf32>
        %dot_general3A_137 = arith.constant dense<0.000000e+00> : vector<512x512xf32>
        %dot_general3A_138 = tpu.matmul %get3A_122, %get3A_136, %dot_general3A_137 {dimension_numbers = #tpu.dot_dimension_numbers<[1], [0], [0], [1], [0, 0, 1, 1], [], []>, transpose_lhs_hint = false} : vector<512x128xf32>, vector<128x512xf32>, vector<512x512xf32> -> vector<512x512xf32>
        %add3A_139 = arith.addf %dot_general3A_133, %dot_general3A_138 : vector<512x512xf32>
        %get3A_140 = arith.constant 0 : index
        %get3A_141 = arith.constant 0 : index
        %get3A_142 = vector.load %arg3[%get3A_140, %get3A_141] : memref<1x512xf32, #tpu.memory_space<vmem>>, vector<1x512xf32>
        %add3A_143 = vector.broadcast %get3A_142 : vector<1x512xf32> to vector<512x512xf32>
        %add3A_144 = arith.addf %add3A_139, %add3A_143 : vector<512x512xf32>
        %slice3A_145 = vector.extract_strided_slice %add3A_144 {offsets = [0, 0], sizes = [512, 128], strides = [1, 1]} : vector<512x512xf32> to vector<512x128xf32>
        %logistic3A_146 = arith.negf %slice3A_145 : vector<512x128xf32>
        %logistic3A_147 = math.exp %logistic3A_146 : vector<512x128xf32>
        %logistic3A_148 = arith.constant 1.000000e+00 : f32
        %logistic3A_149 = vector.broadcast %logistic3A_148 : f32 to vector<512x128xf32>
        %logistic3A_150 = arith.addf %logistic3A_149, %logistic3A_147 : vector<512x128xf32>
        %logistic3A_151 = arith.divf %logistic3A_149, %logistic3A_150 : vector<512x128xf32>
        %slice3A_152 = vector.extract_strided_slice %add3A_144 {offsets = [0, 128], sizes = [512, 128], strides = [1, 1]} : vector<512x512xf32> to vector<512x128xf32>
        %logistic3A_153 = arith.negf %slice3A_152 : vector<512x128xf32>
        %logistic3A_154 = math.exp %logistic3A_153 : vector<512x128xf32>
        %logistic3A_155 = arith.constant 1.000000e+00 : f32
        %logistic3A_156 = vector.broadcast %logistic3A_155 : f32 to vector<512x128xf32>
        %logistic3A_157 = arith.addf %logistic3A_156, %logistic3A_154 : vector<512x128xf32>
        %logistic3A_158 = arith.divf %logistic3A_156, %logistic3A_157 : vector<512x128xf32>
        %slice3A_159 = vector.extract_strided_slice %add3A_144 {offsets = [0, 256], sizes = [512, 128], strides = [1, 1]} : vector<512x512xf32> to vector<512x128xf32>
        %tanh3A_160 = math.tanh %slice3A_159 : vector<512x128xf32>
        %slice3A_161 = vector.extract_strided_slice %add3A_144 {offsets = [0, 384], sizes = [512, 128], strides = [1, 1]} : vector<512x512xf32> to vector<512x128xf32>
        %logistic3A_162 = arith.negf %slice3A_161 : vector<512x128xf32>
        %logistic3A_163 = math.exp %logistic3A_162 : vector<512x128xf32>
        %logistic3A_164 = arith.constant 1.000000e+00 : f32
        %logistic3A_165 = vector.broadcast %logistic3A_164 : f32 to vector<512x128xf32>
        %logistic3A_166 = arith.addf %logistic3A_165, %logistic3A_163 : vector<512x128xf32>
        %logistic3A_167 = arith.divf %logistic3A_165, %logistic3A_166 : vector<512x128xf32>
        %mul3A_168 = arith.mulf %logistic3A_158, %get3A_125 : vector<512x128xf32>
        %mul3A_169 = arith.mulf %logistic3A_151, %tanh3A_160 : vector<512x128xf32>
        %add3A_170 = arith.addf %mul3A_168, %mul3A_169 : vector<512x128xf32>
        %tanh3A_171 = math.tanh %add3A_170 : vector<512x128xf32>
        %mul3A_172 = arith.mulf %logistic3A_167, %tanh3A_171 : vector<512x128xf32>
        %iota3A_173 = tpu.iota {dimensions = array<i32: 0>} : vector<512x1xi32>
        %add3A_174 = vector.broadcast %get3A_117 : i32 to vector<512x1xi32>
        %add3A_175 = arith.addi %add3A_174, %iota3A_173 : vector<512x1xi32>
        %lt3A_176 = vector.broadcast %get3A_119 : i32 to vector<512x1xi32>
        %lt3A_177 = arith.cmpi slt, %add3A_175, %lt3A_176 : vector<512x1xi32>
        %broadcast_in_dim3A_178 = vector.shape_cast %lt3A_177 : vector<512x1xi1> to vector<512x1xi1>
        %broadcast_in_dim3A_179 = vector.broadcast %broadcast_in_dim3A_178 : vector<512x1xi1> to vector<512x128xi1>
        %select_n3A_180 = arith.select %broadcast_in_dim3A_179, %mul3A_172, %get3A_122 : vector<512x128xi1>, vector<512x128xf32>
        %swap3A_181 = arith.index_cast %get3A_117 : i32 to index
        %swap3A_182 = arith.constant 0 : index
        %swap3A_183 = vector.load %arg10[%swap3A_181, %swap3A_182] : memref<10240x128xf32, #tpu.memory_space<vmem>>, vector<512x128xf32>
        tpu.vector_store %arg10[%swap3A_181, %swap3A_182], %select_n3A_180 {strides = array<i32>} : memref<10240x128xf32, #tpu.memory_space<vmem>>, vector<512x128xf32>,
        %broadcast_in_dim3A_184 = vector.shape_cast %lt3A_177 : vector<512x1xi1> to vector<512x1xi1>
        %broadcast_in_dim3A_185 = vector.broadcast %broadcast_in_dim3A_184 : vector<512x1xi1> to vector<512x128xi1>
        %select_n3A_186 = arith.select %broadcast_in_dim3A_185, %add3A_170, %get3A_125 : vector<512x128xi1>, vector<512x128xf32>
        %swap3A_187 = arith.index_cast %get3A_117 : i32 to index
        %swap3A_188 = arith.constant 0 : index
        %swap3A_189 = vector.load %arg11[%swap3A_187, %swap3A_188] : memref<10240x128xf32, #tpu.memory_space<vmem>>, vector<512x128xf32>
        tpu.vector_store %arg11[%swap3A_187, %swap3A_188], %select_n3A_186 {strides = array<i32>} : memref<10240x128xf32, #tpu.memory_space<vmem>>, vector<512x128xf32>,
      } else {
      }
    }
    %while3A_24 = arith.constant 1 : i32
    scf.for %while3A_25 = %while3A_22 to %while3A_18 step %while3A_24  : i32 {
      %mul3A = arith.constant 2 : i32
      %mul3A_26 = arith.muli %mul3A, %while3A_25 : i32
      %add3A_27 = arith.constant 1 : i32
      %add3A_28 = arith.addi %mul3A_26, %add3A_27 : i32
      %lt3A = arith.cmpi slt, %add3A_28, %get3A_11 : i32
      %convert_element_type3A_29 = arith.extui %lt3A : i1 to i32
      %cond3A_30 = arith.constant 0 : i32
      %cond3A_31 = arith.cmpi ne, %convert_element_type3A_29, %cond3A_30 : i32
      scf.if %cond3A_31 {
        %get3A_106 = arith.index_cast %add3A_28 : i32 to index
        %get3A_107 = memref.load %arg4[%get3A_106] : memref<1345xi32, #tpu.memory_space<smem>>
        %dma_start3A = arith.constant 0 : i32
        %dma_start3A_108 = tpu.memref_slice %arg0[%get3A_107, %dma_start3A] : memref<161024x128xf32, #tpu.memory_space<any>> -> memref<512x128xf32, #tpu.memory_space<any>>
        tpu.enqueue_dma source(%dma_start3A_108 : memref<512x128xf32, #tpu.memory_space<any>>) target(%arg13 : memref<512x128xf32, #tpu.memory_space<vmem>>) target_semaphore(%arg15 : memref<!tpu.dma_semaphore, #tpu.memory_space<semaphore_mem>>)
      } else {
      }
      %get3A_32 = arith.index_cast %mul3A_26 : i32 to index
      %get3A_33 = memref.load %arg4[%get3A_32] : memref<1345xi32, #tpu.memory_space<smem>>
      %dma_wait3A = arith.constant 0 : i32
      %dma_wait3A_34 = tpu.memref_slice %arg0[%get3A_33, %dma_wait3A] : memref<161024x128xf32, #tpu.memory_space<any>> -> memref<512x128xf32, #tpu.memory_space<any>>
      tpu.wait_dma2 semaphore(%arg14 : memref<!tpu.dma_semaphore, #tpu.memory_space<semaphore_mem>>) src(%dma_wait3A_34 : memref<512x128xf32, #tpu.memory_space<any>>) dst(%arg12 : memref<512x128xf32, #tpu.memory_space<vmem>>)
      %get3A_35 = arith.index_cast %mul3A_26 : i32 to index
      %get3A_36 = memref.load %arg5[%get3A_35] : memref<1345xi32, #tpu.memory_space<smem>>
      %get3A_37 = arith.index_cast %mul3A_26 : i32 to index
      %get3A_38 = memref.load %arg6[%get3A_37] : memref<1345xi32, #tpu.memory_space<smem>>
      %get3A_39 = arith.index_cast %get3A_36 : i32 to index
      %get3A_40 = arith.constant 0 : index
      %get3A_41 = vector.load %arg10[%get3A_39, %get3A_40] : memref<10240x128xf32, #tpu.memory_space<vmem>>, vector<512x128xf32>
      %get3A_42 = arith.index_cast %get3A_36 : i32 to index
      %get3A_43 = arith.constant 0 : index
      %get3A_44 = vector.load %arg11[%get3A_42, %get3A_43] : memref<10240x128xf32, #tpu.memory_space<vmem>>, vector<512x128xf32>
      %get3A_45 = arith.constant 0 : index
      %get3A_46 = arith.constant 0 : index
      %get3A_47 = vector.load %arg12[%get3A_45, %get3A_46] : memref<512x128xf32, #tpu.memory_space<vmem>>, vector<512x128xf32>
      %get3A_48 = arith.constant 0 : index
      %get3A_49 = arith.constant 0 : index
      %get3A_50 = vector.load %arg1[%get3A_48, %get3A_49] : memref<128x512xf32, #tpu.memory_space<vmem>>, vector<128x512xf32>
      %dot_general3A = arith.constant dense<0.000000e+00> : vector<512x512xf32>
      %dot_general3A_51 = tpu.matmul %get3A_47, %get3A_50, %dot_general3A {dimension_numbers = #tpu.dot_dimension_numbers<[1], [0], [0], [1], [0, 0, 1, 1], [], []>, transpose_lhs_hint = false} : vector<512x128xf32>, vector<128x512xf32>, vector<512x512xf32> -> vector<512x512xf32>
      %get3A_52 = arith.constant 0 : index
      %get3A_53 = arith.constant 0 : index
      %get3A_54 = vector.load %arg2[%get3A_52, %get3A_53] : memref<128x512xf32, #tpu.memory_space<vmem>>, vector<128x512xf32>
      %dot_general3A_55 = arith.constant dense<0.000000e+00> : vector<512x512xf32>
      %dot_general3A_56 = tpu.matmul %get3A_41, %get3A_54, %dot_general3A_55 {dimension_numbers = #tpu.dot_dimension_numbers<[1], [0], [0], [1], [0, 0, 1, 1], [], []>, transpose_lhs_hint = false} : vector<512x128xf32>, vector<128x512xf32>, vector<512x512xf32> -> vector<512x512xf32>
      %add3A_57 = arith.addf %dot_general3A_51, %dot_general3A_56 : vector<512x512xf32>
      %get3A_58 = arith.constant 0 : index
      %get3A_59 = arith.constant 0 : index
      %get3A_60 = vector.load %arg3[%get3A_58, %get3A_59] : memref<1x512xf32, #tpu.memory_space<vmem>>, vector<1x512xf32>
      %add3A_61 = vector.broadcast %get3A_60 : vector<1x512xf32> to vector<512x512xf32>
      %add3A_62 = arith.addf %add3A_57, %add3A_61 : vector<512x512xf32>
      %slice3A = vector.extract_strided_slice %add3A_62 {offsets = [0, 0], sizes = [512, 128], strides = [1, 1]} : vector<512x512xf32> to vector<512x128xf32>
      %logistic3A = arith.negf %slice3A : vector<512x128xf32>
      %logistic3A_63 = math.exp %logistic3A : vector<512x128xf32>
      %logistic3A_64 = arith.constant 1.000000e+00 : f32
      %logistic3A_65 = vector.broadcast %logistic3A_64 : f32 to vector<512x128xf32>
      %logistic3A_66 = arith.addf %logistic3A_65, %logistic3A_63 : vector<512x128xf32>
      %logistic3A_67 = arith.divf %logistic3A_65, %logistic3A_66 : vector<512x128xf32>
      %slice3A_68 = vector.extract_strided_slice %add3A_62 {offsets = [0, 128], sizes = [512, 128], strides = [1, 1]} : vector<512x512xf32> to vector<512x128xf32>
      %logistic3A_69 = arith.negf %slice3A_68 : vector<512x128xf32>
      %logistic3A_70 = math.exp %logistic3A_69 : vector<512x128xf32>
      %logistic3A_71 = arith.constant 1.000000e+00 : f32
      %logistic3A_72 = vector.broadcast %logistic3A_71 : f32 to vector<512x128xf32>
      %logistic3A_73 = arith.addf %logistic3A_72, %logistic3A_70 : vector<512x128xf32>
      %logistic3A_74 = arith.divf %logistic3A_72, %logistic3A_73 : vector<512x128xf32>
      %slice3A_75 = vector.extract_strided_slice %add3A_62 {offsets = [0, 256], sizes = [512, 128], strides = [1, 1]} : vector<512x512xf32> to vector<512x128xf32>
      %tanh3A = math.tanh %slice3A_75 : vector<512x128xf32>
      %slice3A_76 = vector.extract_strided_slice %add3A_62 {offsets = [0, 384], sizes = [512, 128], strides = [1, 1]} : vector<512x512xf32> to vector<512x128xf32>
      %logistic3A_77 = arith.negf %slice3A_76 : vector<512x128xf32>
      %logistic3A_78 = math.exp %logistic3A_77 : vector<512x128xf32>
      %logistic3A_79 = arith.constant 1.000000e+00 : f32
      %logistic3A_80 = vector.broadcast %logistic3A_79 : f32 to vector<512x128xf32>
      %logistic3A_81 = arith.addf %logistic3A_80, %logistic3A_78 : vector<512x128xf32>
      %logistic3A_82 = arith.divf %logistic3A_80, %logistic3A_81 : vector<512x128xf32>
      %mul3A_83 = arith.mulf %logistic3A_74, %get3A_44 : vector<512x128xf32>
      %mul3A_84 = arith.mulf %logistic3A_67, %tanh3A : vector<512x128xf32>
      %add3A_85 = arith.addf %mul3A_83, %mul3A_84 : vector<512x128xf32>
      %tanh3A_86 = math.tanh %add3A_85 : vector<512x128xf32>
      %mul3A_87 = arith.mulf %logistic3A_82, %tanh3A_86 : vector<512x128xf32>
      %iota3A = tpu.iota {dimensions = array<i32: 0>} : vector<512x1xi32>
      %add3A_88 = vector.broadcast %get3A_36 : i32 to vector<512x1xi32>
      %add3A_89 = arith.addi %add3A_88, %iota3A : vector<512x1xi32>
      %lt3A_90 = vector.broadcast %get3A_38 : i32 to vector<512x1xi32>
      %lt3A_91 = arith.cmpi slt, %add3A_89, %lt3A_90 : vector<512x1xi32>
      %broadcast_in_dim3A = vector.shape_cast %lt3A_91 : vector<512x1xi1> to vector<512x1xi1>
      %broadcast_in_dim3A_92 = vector.broadcast %broadcast_in_dim3A : vector<512x1xi1> to vector<512x128xi1>
      %select_n3A = arith.select %broadcast_in_dim3A_92, %mul3A_87, %get3A_41 : vector<512x128xi1>, vector<512x128xf32>
      %swap3A_93 = arith.index_cast %get3A_36 : i32 to index
      %swap3A_94 = arith.constant 0 : index
      %swap3A_95 = vector.load %arg10[%swap3A_93, %swap3A_94] : memref<10240x128xf32, #tpu.memory_space<vmem>>, vector<512x128xf32>
      tpu.vector_store %arg10[%swap3A_93, %swap3A_94], %select_n3A {strides = array<i32>} : memref<10240x128xf32, #tpu.memory_space<vmem>>, vector<512x128xf32>,
      %broadcast_in_dim3A_96 = vector.shape_cast %lt3A_91 : vector<512x1xi1> to vector<512x1xi1>
      %broadcast_in_dim3A_97 = vector.broadcast %broadcast_in_dim3A_96 : vector<512x1xi1> to vector<512x128xi1>
      %select_n3A_98 = arith.select %broadcast_in_dim3A_97, %add3A_85, %get3A_44 : vector<512x128xi1>, vector<512x128xf32>
      %swap3A_99 = arith.index_cast %get3A_36 : i32 to index
      %swap3A_100 = arith.constant 0 : index
      %swap3A_101 = vector.load %arg11[%swap3A_99, %swap3A_100] : memref<10240x128xf32, #tpu.memory_space<vmem>>, vector<512x128xf32>
      tpu.vector_store %arg11[%swap3A_99, %swap3A_100], %select_n3A_98 {strides = array<i32>} : memref<10240x128xf32, #tpu.memory_space<vmem>>, vector<512x128xf32>,
      %lt3A_102 = arith.cmpi slt, %add3A_28, %get3A_11 : i32
      %convert_element_type3A_103 = arith.extui %lt3A_102 : i1 to i32
      %cond3A_104 = arith.constant 0 : i32
      %cond3A_105 = arith.cmpi ne, %convert_element_type3A_103, %cond3A_104 : i32
      scf.if %cond3A_105 {
        %add3A_106 = arith.constant 1 : i32
        %add3A_107 = arith.addi %add3A_28, %add3A_106 : i32
        %lt3A_108 = arith.cmpi slt, %add3A_107, %get3A_11 : i32
        %convert_element_type3A_109 = arith.extui %lt3A_108 : i1 to i32
        %cond3A_110 = arith.constant 0 : i32
        %cond3A_111 = arith.cmpi ne, %convert_element_type3A_109, %cond3A_110 : i32
        scf.if %cond3A_111 {
          %add3A_190 = arith.constant 1 : i32
          %add3A_191 = arith.addi %add3A_28, %add3A_190 : i32
          %get3A_192 = arith.index_cast %add3A_191 : i32 to index
          %get3A_193 = memref.load %arg4[%get3A_192] : memref<1345xi32, #tpu.memory_space<smem>>
          %dma_start3A = arith.constant 0 : i32
          %dma_start3A_194 = tpu.memref_slice %arg0[%get3A_193, %dma_start3A] : memref<161024x128xf32, #tpu.memory_space<any>> -> memref<512x128xf32, #tpu.memory_space<any>>
          tpu.enqueue_dma source(%dma_start3A_194 : memref<512x128xf32, #tpu.memory_space<any>>) target(%arg12 : memref<512x128xf32, #tpu.memory_space<vmem>>) target_semaphore(%arg14 : memref<!tpu.dma_semaphore, #tpu.memory_space<semaphore_mem>>)
        } else {
        }
        %get3A_112 = arith.index_cast %add3A_28 : i32 to index
        %get3A_113 = memref.load %arg4[%get3A_112] : memref<1345xi32, #tpu.memory_space<smem>>
        %dma_wait3A_114 = arith.constant 0 : i32
        %dma_wait3A_115 = tpu.memref_slice %arg0[%get3A_113, %dma_wait3A_114] : memref<161024x128xf32, #tpu.memory_space<any>> -> memref<512x128xf32, #tpu.memory_space<any>>
        tpu.wait_dma2 semaphore(%arg15 : memref<!tpu.dma_semaphore, #tpu.memory_space<semaphore_mem>>) src(%dma_wait3A_115 : memref<512x128xf32, #tpu.memory_space<any>>) dst(%arg13 : memref<512x128xf32, #tpu.memory_space<vmem>>)
        %get3A_116 = arith.index_cast %add3A_28 : i32 to index
        %get3A_117 = memref.load %arg5[%get3A_116] : memref<1345xi32, #tpu.memory_space<smem>>
        %get3A_118 = arith.index_cast %add3A_28 : i32 to index
        %get3A_119 = memref.load %arg6[%get3A_118] : memref<1345xi32, #tpu.memory_space<smem>>
        %get3A_120 = arith.index_cast %get3A_117 : i32 to index
        %get3A_121 = arith.constant 0 : index
        %get3A_122 = vector.load %arg10[%get3A_120, %get3A_121] : memref<10240x128xf32, #tpu.memory_space<vmem>>, vector<512x128xf32>
        %get3A_123 = arith.index_cast %get3A_117 : i32 to index
        %get3A_124 = arith.constant 0 : index
        %get3A_125 = vector.load %arg11[%get3A_123, %get3A_124] : memref<10240x128xf32, #tpu.memory_space<vmem>>, vector<512x128xf32>
        %get3A_126 = arith.constant 0 : index
        %get3A_127 = arith.constant 0 : index
        %get3A_128 = vector.load %arg13[%get3A_126, %get3A_127] : memref<512x128xf32, #tpu.memory_space<vmem>>, vector<512x128xf32>
        %get3A_129 = arith.constant 0 : index
        %get3A_130 = arith.constant 0 : index
        %get3A_131 = vector.load %arg1[%get3A_129, %get3A_130] : memref<128x512xf32, #tpu.memory_space<vmem>>, vector<128x512xf32>
        %dot_general3A_132 = arith.constant dense<0.000000e+00> : vector<512x512xf32>
        %dot_general3A_133 = tpu.matmul %get3A_128, %get3A_131, %dot_general3A_132 {dimension_numbers = #tpu.dot_dimension_numbers<[1], [0], [0], [1], [0, 0, 1, 1], [], []>, transpose_lhs_hint = false} : vector<512x128xf32>, vector<128x512xf32>, vector<512x512xf32> -> vector<512x512xf32>
        %get3A_134 = arith.constant 0 : index
        %get3A_135 = arith.constant 0 : index
        %get3A_136 = vector.load %arg2[%get3A_134, %get3A_135] : memref<128x512xf32, #tpu.memory_space<vmem>>, vector<128x512xf32>
        %dot_general3A_137 = arith.constant dense<0.000000e+00> : vector<512x512xf32>
        %dot_general3A_138 = tpu.matmul %get3A_122, %get3A_136, %dot_general3A_137 {dimension_numbers = #tpu.dot_dimension_numbers<[1], [0], [0], [1], [0, 0, 1, 1], [], []>, transpose_lhs_hint = false} : vector<512x128xf32>, vector<128x512xf32>, vector<512x512xf32> -> vector<512x512xf32>
        %add3A_139 = arith.addf %dot_general3A_133, %dot_general3A_138 : vector<512x512xf32>
        %get3A_140 = arith.constant 0 : index
        %get3A_141 = arith.constant 0 : index
        %get3A_142 = vector.load %arg3[%get3A_140, %get3A_141] : memref<1x512xf32, #tpu.memory_space<vmem>>, vector<1x512xf32>
        %add3A_143 = vector.broadcast %get3A_142 : vector<1x512xf32> to vector<512x512xf32>
        %add3A_144 = arith.addf %add3A_139, %add3A_143 : vector<512x512xf32>
        %slice3A_145 = vector.extract_strided_slice %add3A_144 {offsets = [0, 0], sizes = [512, 128], strides = [1, 1]} : vector<512x512xf32> to vector<512x128xf32>
        %logistic3A_146 = arith.negf %slice3A_145 : vector<512x128xf32>
        %logistic3A_147 = math.exp %logistic3A_146 : vector<512x128xf32>
        %logistic3A_148 = arith.constant 1.000000e+00 : f32
        %logistic3A_149 = vector.broadcast %logistic3A_148 : f32 to vector<512x128xf32>
        %logistic3A_150 = arith.addf %logistic3A_149, %logistic3A_147 : vector<512x128xf32>
        %logistic3A_151 = arith.divf %logistic3A_149, %logistic3A_150 : vector<512x128xf32>
        %slice3A_152 = vector.extract_strided_slice %add3A_144 {offsets = [0, 128], sizes = [512, 128], strides = [1, 1]} : vector<512x512xf32> to vector<512x128xf32>
        %logistic3A_153 = arith.negf %slice3A_152 : vector<512x128xf32>
        %logistic3A_154 = math.exp %logistic3A_153 : vector<512x128xf32>
        %logistic3A_155 = arith.constant 1.000000e+00 : f32
        %logistic3A_156 = vector.broadcast %logistic3A_155 : f32 to vector<512x128xf32>
        %logistic3A_157 = arith.addf %logistic3A_156, %logistic3A_154 : vector<512x128xf32>
        %logistic3A_158 = arith.divf %logistic3A_156, %logistic3A_157 : vector<512x128xf32>
        %slice3A_159 = vector.extract_strided_slice %add3A_144 {offsets = [0, 256], sizes = [512, 128], strides = [1, 1]} : vector<512x512xf32> to vector<512x128xf32>
        %tanh3A_160 = math.tanh %slice3A_159 : vector<512x128xf32>
        %slice3A_161 = vector.extract_strided_slice %add3A_144 {offsets = [0, 384], sizes = [512, 128], strides = [1, 1]} : vector<512x512xf32> to vector<512x128xf32>
        %logistic3A_162 = arith.negf %slice3A_161 : vector<512x128xf32>
        %logistic3A_163 = math.exp %logistic3A_162 : vector<512x128xf32>
        %logistic3A_164 = arith.constant 1.000000e+00 : f32
        %logistic3A_165 = vector.broadcast %logistic3A_164 : f32 to vector<512x128xf32>
        %logistic3A_166 = arith.addf %logistic3A_165, %logistic3A_163 : vector<512x128xf32>
        %logistic3A_167 = arith.divf %logistic3A_165, %logistic3A_166 : vector<512x128xf32>
        %mul3A_168 = arith.mulf %logistic3A_158, %get3A_125 : vector<512x128xf32>
        %mul3A_169 = arith.mulf %logistic3A_151, %tanh3A_160 : vector<512x128xf32>
        %add3A_170 = arith.addf %mul3A_168, %mul3A_169 : vector<512x128xf32>
        %tanh3A_171 = math.tanh %add3A_170 : vector<512x128xf32>
        %mul3A_172 = arith.mulf %logistic3A_167, %tanh3A_171 : vector<512x128xf32>
        %iota3A_173 = tpu.iota {dimensions = array<i32: 0>} : vector<512x1xi32>
        %add3A_174 = vector.broadcast %get3A_117 : i32 to vector<512x1xi32>
        %add3A_175 = arith.addi %add3A_174, %iota3A_173 : vector<512x1xi32>
        %lt3A_176 = vector.broadcast %get3A_119 : i32 to vector<512x1xi32>
        %lt3A_177 = arith.cmpi slt, %add3A_175, %lt3A_176 : vector<512x1xi32>
        %broadcast_in_dim3A_178 = vector.shape_cast %lt3A_177 : vector<512x1xi1> to vector<512x1xi1>
        %broadcast_in_dim3A_179 = vector.broadcast %broadcast_in_dim3A_178 : vector<512x1xi1> to vector<512x128xi1>
        %select_n3A_180 = arith.select %broadcast_in_dim3A_179, %mul3A_172, %get3A_122 : vector<512x128xi1>, vector<512x128xf32>
        %swap3A_181 = arith.index_cast %get3A_117 : i32 to index
        %swap3A_182 = arith.constant 0 : index
        %swap3A_183 = vector.load %arg10[%swap3A_181, %swap3A_182] : memref<10240x128xf32, #tpu.memory_space<vmem>>, vector<512x128xf32>
        tpu.vector_store %arg10[%swap3A_181, %swap3A_182], %select_n3A_180 {strides = array<i32>} : memref<10240x128xf32, #tpu.memory_space<vmem>>, vector<512x128xf32>,
        %broadcast_in_dim3A_184 = vector.shape_cast %lt3A_177 : vector<512x1xi1> to vector<512x1xi1>
        %broadcast_in_dim3A_185 = vector.broadcast %broadcast_in_dim3A_184 : vector<512x1xi1> to vector<512x128xi1>
        %select_n3A_186 = arith.select %broadcast_in_dim3A_185, %add3A_170, %get3A_125 : vector<512x128xi1>, vector<512x128xf32>
        %swap3A_187 = arith.index_cast %get3A_117 : i32 to index
        %swap3A_188 = arith.constant 0 : index
        %swap3A_189 = vector.load %arg11[%swap3A_187, %swap3A_188] : memref<10240x128xf32, #tpu.memory_space<vmem>>, vector<512x128xf32>
        tpu.vector_store %arg11[%swap3A_187, %swap3A_188], %select_n3A_186 {strides = array<i32>} : memref<10240x128xf32, #tpu.memory_space<vmem>>, vector<512x128xf32>,
      } else {
      }
    }
    return
  }
}

module attributes {stable_mosaic.version = 14 : i64} {
  func.func @_fc_body(%arg0: i32, %arg1: memref<2000x128xf32, #tpu.memory_space<vmem>>, %arg2: memref<2000x128xf32, #tpu.memory_space<vmem>>, %arg3: memref<128x128xf32, #tpu.memory_space<vmem>>, %arg4: memref<128x128xf32, #tpu.memory_space<vmem>>, %arg5: memref<1x128xf32, #tpu.memory_space<vmem>>, %arg6: memref<2000x128xf32, #tpu.memory_space<vmem>>) attributes {dimension_semantics = [#tpu.dimension_semantics<arbitrary>], iteration_bounds = array<i64: 5>, scalar_prefetch = 0 : i64, scratch_operands = 0 : i64, tpu.core_type = #tpu.core_type<tc>, window_params = [{transform_indices = @transform_0, window_bounds = array<i64: 2000, 128>}, {transform_indices = @transform_1, window_bounds = array<i64: 2000, 128>}, {pipeline_mode = #tpu.pipeline_mode<synchronous>, transform_indices = @transform_2, window_bounds = array<i64: 128, 128>}, {pipeline_mode = #tpu.pipeline_mode<synchronous>, transform_indices = @transform_3, window_bounds = array<i64: 128, 128>}, {pipeline_mode = #tpu.pipeline_mode<synchronous>, transform_indices = @transform_4, window_bounds = array<i64: 1, 128>}, {transform_indices = @transform_5, window_bounds = array<i64: 2000, 128>}]} {
    %get3A = arith.constant 0 : index
    %get3A_0 = arith.constant 0 : index
    %get3A_1 = vector.load %arg1[%get3A, %get3A_0] : memref<2000x128xf32, #tpu.memory_space<vmem>>, vector<2000x128xf32>
    %get3A_2 = arith.constant 0 : index
    %get3A_3 = arith.constant 0 : index
    %get3A_4 = vector.load %arg3[%get3A_2, %get3A_3] : memref<128x128xf32, #tpu.memory_space<vmem>>, vector<128x128xf32>
    %dot_general3A = arith.constant dense<0.000000e+00> : vector<2000x128xf32>
    %dot_general3A_5 = tpu.matmul %get3A_1, %get3A_4, %dot_general3A {dimension_numbers = #tpu.dot_dimension_numbers<[1], [0], [0], [1], [0, 0, 1, 1], [], []>, transpose_lhs_hint = false} : vector<2000x128xf32>, vector<128x128xf32>, vector<2000x128xf32> -> vector<2000x128xf32>
    %get3A_6 = arith.constant 0 : index
    %get3A_7 = arith.constant 0 : index
    %get3A_8 = vector.load %arg2[%get3A_6, %get3A_7] : memref<2000x128xf32, #tpu.memory_space<vmem>>, vector<2000x128xf32>
    %get3A_9 = arith.constant 0 : index
    %get3A_10 = arith.constant 0 : index
    %get3A_11 = vector.load %arg4[%get3A_9, %get3A_10] : memref<128x128xf32, #tpu.memory_space<vmem>>, vector<128x128xf32>
    %dot_general3A_12 = arith.constant dense<0.000000e+00> : vector<2000x128xf32>
    %dot_general3A_13 = tpu.matmul %get3A_8, %get3A_11, %dot_general3A_12 {dimension_numbers = #tpu.dot_dimension_numbers<[1], [0], [0], [1], [0, 0, 1, 1], [], []>, transpose_lhs_hint = false} : vector<2000x128xf32>, vector<128x128xf32>, vector<2000x128xf32> -> vector<2000x128xf32>
    %add3A = arith.addf %dot_general3A_5, %dot_general3A_13 : vector<2000x128xf32>
    %get3A_14 = arith.constant 0 : index
    %get3A_15 = arith.constant 0 : index
    %get3A_16 = vector.load %arg5[%get3A_14, %get3A_15] : memref<1x128xf32, #tpu.memory_space<vmem>>, vector<1x128xf32>
    %add3A_17 = vector.broadcast %get3A_16 : vector<1x128xf32> to vector<2000x128xf32>
    %add3A_18 = arith.addf %add3A, %add3A_17 : vector<2000x128xf32>
    %max3A = arith.constant 0.000000e+00 : f32
    %max3A_19 = vector.broadcast %max3A : f32 to vector<2000x128xf32>
    %max3A_20 = arith.maximumf %add3A_18, %max3A_19 : vector<2000x128xf32>
    %swap3A = arith.constant 0 : index
    %swap3A_21 = arith.constant 0 : index
    %swap3A_22 = vector.load %arg6[%swap3A, %swap3A_21] : memref<2000x128xf32, #tpu.memory_space<vmem>>, vector<2000x128xf32>
    tpu.vector_store %arg6[%swap3A, %swap3A_21], %max3A_20 {strides = array<i32>} : memref<2000x128xf32, #tpu.memory_space<vmem>>, vector<2000x128xf32>,
    return
  }
  func.func @transform_0(%arg0: i32) -> (i32, i32) {
    %c0_i32 = arith.constant 0 : i32
    %c0_i32_0 = arith.constant 0 : i32
    return %arg0, %c0_i32 : i32, i32
  }
  func.func @transform_1(%arg0: i32) -> (i32, i32) {
    %c0_i32 = arith.constant 0 : i32
    %c0_i32_0 = arith.constant 0 : i32
    return %arg0, %c0_i32 : i32, i32
  }
  func.func @transform_2(%arg0: i32) -> (i32, i32) {
    %c0_i32 = arith.constant 0 : i32
    %c0_i32_0 = arith.constant 0 : i32
    %c0_i32_1 = arith.constant 0 : i32
    return %c0_i32, %c0_i32_0 : i32, i32
  }
  func.func @transform_3(%arg0: i32) -> (i32, i32) {
    %c0_i32 = arith.constant 0 : i32
    %c0_i32_0 = arith.constant 0 : i32
    %c0_i32_1 = arith.constant 0 : i32
    return %c0_i32, %c0_i32_0 : i32, i32
  }
  func.func @transform_4(%arg0: i32) -> (i32, i32) {
    %c0_i32 = arith.constant 0 : i32
    %c0_i32_0 = arith.constant 0 : i32
    %c0_i32_1 = arith.constant 0 : i32
    return %c0_i32, %c0_i32_0 : i32, i32
  }
  func.func @transform_5(%arg0: i32) -> (i32, i32) {
    %c0_i32 = arith.constant 0 : i32
    %c0_i32_0 = arith.constant 0 : i32
    return %arg0, %c0_i32 : i32, i32
  }
}

module attributes {stable_mosaic.version = 14 : i64} {
  func.func @_fc_body(%arg0: i32, %arg1: memref<2000x128xf32, #tpu.memory_space<vmem>>, %arg2: memref<2000x128xf32, #tpu.memory_space<vmem>>, %arg3: memref<128x8xf32, #tpu.memory_space<vmem>>, %arg4: memref<128x8xf32, #tpu.memory_space<vmem>>, %arg5: memref<1x8xf32, #tpu.memory_space<vmem>>, %arg6: memref<2000x8xf32, #tpu.memory_space<vmem>>) attributes {dimension_semantics = [#tpu.dimension_semantics<arbitrary>], iteration_bounds = array<i64: 5>, scalar_prefetch = 0 : i64, scratch_operands = 0 : i64, tpu.core_type = #tpu.core_type<tc>, window_params = [{transform_indices = @transform_0, window_bounds = array<i64: 2000, 128>}, {transform_indices = @transform_1, window_bounds = array<i64: 2000, 128>}, {pipeline_mode = #tpu.pipeline_mode<synchronous>, transform_indices = @transform_2, window_bounds = array<i64: 128, 8>}, {pipeline_mode = #tpu.pipeline_mode<synchronous>, transform_indices = @transform_3, window_bounds = array<i64: 128, 8>}, {pipeline_mode = #tpu.pipeline_mode<synchronous>, transform_indices = @transform_4, window_bounds = array<i64: 1, 8>}, {transform_indices = @transform_5, window_bounds = array<i64: 2000, 8>}]} {
    %get3A = arith.constant 0 : index
    %get3A_0 = arith.constant 0 : index
    %get3A_1 = vector.load %arg1[%get3A, %get3A_0] : memref<2000x128xf32, #tpu.memory_space<vmem>>, vector<2000x128xf32>
    %get3A_2 = arith.constant 0 : index
    %get3A_3 = arith.constant 0 : index
    %get3A_4 = vector.load %arg3[%get3A_2, %get3A_3] : memref<128x8xf32, #tpu.memory_space<vmem>>, vector<128x8xf32>
    %dot_general3A = arith.constant dense<0.000000e+00> : vector<2000x8xf32>
    %dot_general3A_5 = tpu.matmul %get3A_1, %get3A_4, %dot_general3A {dimension_numbers = #tpu.dot_dimension_numbers<[1], [0], [0], [1], [0, 0, 1, 1], [], []>, transpose_lhs_hint = false} : vector<2000x128xf32>, vector<128x8xf32>, vector<2000x8xf32> -> vector<2000x8xf32>
    %get3A_6 = arith.constant 0 : index
    %get3A_7 = arith.constant 0 : index
    %get3A_8 = vector.load %arg2[%get3A_6, %get3A_7] : memref<2000x128xf32, #tpu.memory_space<vmem>>, vector<2000x128xf32>
    %get3A_9 = arith.constant 0 : index
    %get3A_10 = arith.constant 0 : index
    %get3A_11 = vector.load %arg4[%get3A_9, %get3A_10] : memref<128x8xf32, #tpu.memory_space<vmem>>, vector<128x8xf32>
    %dot_general3A_12 = arith.constant dense<0.000000e+00> : vector<2000x8xf32>
    %dot_general3A_13 = tpu.matmul %get3A_8, %get3A_11, %dot_general3A_12 {dimension_numbers = #tpu.dot_dimension_numbers<[1], [0], [0], [1], [0, 0, 1, 1], [], []>, transpose_lhs_hint = false} : vector<2000x128xf32>, vector<128x8xf32>, vector<2000x8xf32> -> vector<2000x8xf32>
    %add3A = arith.addf %dot_general3A_5, %dot_general3A_13 : vector<2000x8xf32>
    %get3A_14 = arith.constant 0 : index
    %get3A_15 = arith.constant 0 : index
    %get3A_16 = vector.load %arg5[%get3A_14, %get3A_15] : memref<1x8xf32, #tpu.memory_space<vmem>>, vector<1x8xf32>
    %add3A_17 = vector.broadcast %get3A_16 : vector<1x8xf32> to vector<2000x8xf32>
    %add3A_18 = arith.addf %add3A, %add3A_17 : vector<2000x8xf32>
    %logistic3A = arith.negf %add3A_18 : vector<2000x8xf32>
    %logistic3A_19 = math.exp %logistic3A : vector<2000x8xf32>
    %logistic3A_20 = arith.constant 1.000000e+00 : f32
    %logistic3A_21 = vector.broadcast %logistic3A_20 : f32 to vector<2000x8xf32>
    %logistic3A_22 = arith.addf %logistic3A_21, %logistic3A_19 : vector<2000x8xf32>
    %logistic3A_23 = arith.divf %logistic3A_21, %logistic3A_22 : vector<2000x8xf32>
    %swap3A = arith.constant 0 : index
    %swap3A_24 = arith.constant 0 : index
    %swap3A_25 = vector.load %arg6[%swap3A, %swap3A_24] : memref<2000x8xf32, #tpu.memory_space<vmem>>, vector<2000x8xf32>
    tpu.vector_store %arg6[%swap3A, %swap3A_24], %logistic3A_23 {strides = array<i32>} : memref<2000x8xf32, #tpu.memory_space<vmem>>, vector<2000x8xf32>,
    return
  }
  func.func @transform_0(%arg0: i32) -> (i32, i32) {
    %c0_i32 = arith.constant 0 : i32
    %c0_i32_0 = arith.constant 0 : i32
    return %arg0, %c0_i32 : i32, i32
  }
  func.func @transform_1(%arg0: i32) -> (i32, i32) {
    %c0_i32 = arith.constant 0 : i32
    %c0_i32_0 = arith.constant 0 : i32
    return %arg0, %c0_i32 : i32, i32
  }
  func.func @transform_2(%arg0: i32) -> (i32, i32) {
    %c0_i32 = arith.constant 0 : i32
    %c0_i32_0 = arith.constant 0 : i32
    %c0_i32_1 = arith.constant 0 : i32
    return %c0_i32, %c0_i32_0 : i32, i32
  }
  func.func @transform_3(%arg0: i32) -> (i32, i32) {
    %c0_i32 = arith.constant 0 : i32
    %c0_i32_0 = arith.constant 0 : i32
    %c0_i32_1 = arith.constant 0 : i32
    return %c0_i32, %c0_i32_0 : i32, i32
  }
  func.func @transform_4(%arg0: i32) -> (i32, i32) {
    %c0_i32 = arith.constant 0 : i32
    %c0_i32_0 = arith.constant 0 : i32
    %c0_i32_1 = arith.constant 0 : i32
    return %c0_i32, %c0_i32_0 : i32, i32
  }
  func.func @transform_5(%arg0: i32) -> (i32, i32) {
    %c0_i32 = arith.constant 0 : i32
    %c0_i32_0 = arith.constant 0 : i32
    return %arg0, %c0_i32 : i32, i32
  }
}

</mosaic_0001>

<sc_bundles>
// kernel: gather_offload_async_start.1
scs
__scs_entry_jumppad:
0x0: {  	(pc) =	sbr.rel $0x88, $3  }
0x1: {  	(tag) =	ssettag $0x0;
	lr =	simm.s32 $0x1  }
0x2: {  	[smem:$0x3F91] =	sst lr;
	_ =	strace $0xD0000000  }
0x3: {  	_ = 	snop  }
0x4: {  	_ = 	snop  }
0x5: {  	_ = 	snop  }
0x6: {  	_ = 	snop  }
0x7: {  	_ = 	snop  }
__scs_overlays_trampoline_lowered:
0x8: {  	[smem:$0x3FA0] =	sst s0  }
0x9: {  	[smem:$0x3FA1] =	sst s1  }
0xa: {  	[smem:$0x3FA2] =	sst s2  }
0xb: {  	[smem:$0x3FA3] =	sst s3  }
0xc: {  	[smem:$0x3FA4] =	sst s4  }
0xd: {  	[smem:$0x3FA5] =	sst s5  }
0xe: {  	[smem:$0x3FA6] =	sst s6  }
0xf: {  	[smem:$0x3FA7] =	sst s7  }
0x10: {  	[smem:$0x3FA8] =	sst s8  }
0x11: {  	[smem:$0x3FA9] =	sst s9;
	s0 =	simm.s32 @!p0 $0x0  }
0x12: {  	s1 =	sld [smem:$0x3F8F];
	s0 =	simm.s32 @p0 $0x1  }
0x13: {  	[smem:$0x3FAA] =	sst s0;
	s0 =	simm.s32 @!p1 $0x0  }
0x14: {  	s2 =	sld [smem:$0x3F8E];
	s0 =	simm.s32 @p1 $0x1  }
0x15: {  	[smem:$0x3FAB] =	sst s0;
	s0 =	simm.s32 @!p2 $0x0  }
0x16: {  	s3 =	sld [smem:$0x3FDB];
	s0 =	simm.s32 @p2 $0x1  }
0x17: {  	s4 =	simm.s32 $0x1BF5;
	[smem:$0x3FAD] =	sst s0  }
0x18: {  	s0 =	sld [smem:$0x3F90];
	_ =	swait.ge [sflag:s4], $0x0  }
0x19: {  	s7 =	sld [smem:$0x3F91]  }
0x1a: {  	s8 =	sadd.s32 $0xFFFFE003, lr  }
0x1b: {  	s9 =	sadd.s32 $0xFFFFFEF7, lr;
	s5 =	simm.s32 $0xFFFFFFFF;
	p2 =	slt.u32 s8, $0xFFFFF086  }
0x1c: {  	p1 =	slt.u32 s9, $0xF7A;
	s5 =	simm.s32 @!p2 $0x0  }
0x1d: {  	s5 =	simm.s32 @p1 $0x1;
	p0 =	seq.s32 s7, s2  }
0x1e: {  	s7 =	smul.u32 @!p0 $0xF7A, s2;
	p2 =	seq.s32 @!p0 s5, $0x0  }
0x1f: {  	s9 =	smul.u32 $0xF7A, s1;
	s8 =	simm.s32 @!p0 $0x1BF5;
	p2 =	por !p2, p0  }
0x20: {  	[sflag:s8] =	ssyncset.s32 @!p0 $0xFFFFF086;
	s6 =	sadd.s32 @!p0 s3, s7;
	s7 =	simm.s32 @!p0 $0x108  }
0x21: {  	s3 =	sadd.s32 s3, s9;
	s6 =	sadd.s32 @!p0 $0x88, s6;
	s7 =	simm.s32 @p2 $0x1082  }
0x22: {  	[simem:s7], [sflag:s8] =	dma.local @!p0 [hbm:s6], $0xF7A  }
0x23: {  	s9 =	sor.u32 $0xD0000000, s2;
	s6 =	simm.s32 $0x108;
	_ =	swait.ge @!p0 [sflag:s8], $0x0  }
0x24: {  	s3 =	sadd.s32 $0x88, s3;
	s6 =	simm.s32 @!p1 $0x1082;
	[sflag:s4] =	ssyncset.s32 $0xFFFFF086  }
0x25: {  	[simem:s6], [sflag:s4] =	dma.local [hbm:s3], $0xF7A  }
0x26: {  	[smem:$0x3F91] =	sst s1;
	(tag) =	ssettag s2;
	_ =	strace s9  }
0x27: {  	s1 =	sld [smem:$0x3FA1]  }
0x28: {  	s2 =	sld [smem:$0x3FA2]  }
0x29: {  	s4 =	sld [smem:$0x3FA4]  }
0x2a: {  	p0 =	seq.s32 s5, $0x0;
	s5 =	sld [smem:$0x3FA5]  }
0x2b: {  	s6 =	sld [smem:$0x3FA6]  }
0x2c: {  	s7 =	sld [smem:$0x3FA7]  }
0x2d: {  	s3 =	simm.s32 $0x108;
	s8 =	sld [smem:$0x3FA8]  }
0x2e: {  	s3 =	simm.s32 @!p0 $0x1082;
	s9 =	sld [smem:$0x3FA9]  }
0x2f: {  	lr =	sadd.s32 s0, s3;
	s0 =	sld [smem:$0x3FA0]  }
0x30: {  	s3 =	sld [smem:$0x3FA3]  }
0x31: {  	[smem:$0x3FAC] =	sst s10  }
0x32: {  	s10 =	sld [smem:$0x3FAA];
	_ =	sdelay $0x3  }
0x33: {  	p0 =	seq.s32 s10, $0x1;
	s10 =	sld [smem:$0x3FAC];
	_ =	sdelay $0x3  }
0x34: {  	[smem:$0x3FAC] =	sst s10  }
0x35: {  	s10 =	sld [smem:$0x3FAB];
	_ =	sdelay $0x3  }
0x36: {  	p1 =	seq.s32 s10, $0x1;
	s10 =	sld [smem:$0x3FAC];
	_ =	sdelay $0x3  }
0x37: {  	[smem:$0x3FAC] =	sst s10  }
0x38: {  	s10 =	sld [smem:$0x3FAD]  }
0x39: {  	_ = 	snop;
	(pc) =	sbr.ind lr, $3  }
0x3a: {  	_ = 	snop  }
0x3b: {  	_ = 	snop  }
0x3c: {  	p2 =	seq.s32 s10, $0x1;
	s10 =	sld [smem:$0x3FAC]  }
0x3d: {  	_ =	shalt  }
0x3e: {  	_ =	shalt  }
0x3f: {  	_ =	shalt  }
0x40: {  	_ =	shalt  }
0x41: {  	_ =	shalt  }
0x42: {  	_ =	shalt  }
0x43: {  	_ =	shalt  }
0x44: {  	_ =	shalt  }
0x45: {  	_ =	shalt  }
0x46: {  	_ =	shalt  }
0x47: {  	_ =	shalt  }
0x48: {  	_ =	shalt  }
0x49: {  	_ =	shalt  }
0x4a: {  	_ =	shalt  }
0x4b: {  	_ =	shalt  }
0x4c: {  	_ =	shalt  }
0x4d: {  	_ =	shalt  }
0x4e: {  	_ =	shalt  }
0x4f: {  	_ =	shalt  }
0x50: {  	_ =	shalt  }
0x51: {  	_ =	shalt  }
0x52: {  	_ =	shalt  }
0x53: {  	_ =	shalt  }
0x54: {  	_ =	shalt  }
0x55: {  	_ =	shalt  }
0x56: {  	_ =	shalt  }
0x57: {  	_ =	shalt  }
0x58: {  	_ =	shalt  }
0x59: {  	_ =	shalt  }
0x5a: {  	_ =	shalt  }
0x5b: {  	_ =	shalt  }
0x5c: {  	_ =	shalt  }
0x5d: {  	_ =	shalt  }
0x5e: {  	_ =	shalt  }
0x5f: {  	_ =	shalt  }
0x60: {  	_ =	shalt  }
0x61: {  	_ =	shalt  }
0x62: {  	_ =	shalt  }
0x63: {  	_ =	shalt  }
0x64: {  	_ =	shalt  }
0x65: {  	_ =	shalt  }
0x66: {  	_ =	shalt  }
0x67: {  	_ =	shalt  }
0x68: {  	_ =	shalt  }
0x69: {  	_ =	shalt  }
0x6a: {  	_ =	shalt  }
0x6b: {  	_ =	shalt  }
0x6c: {  	_ =	shalt  }
0x6d: {  	_ =	shalt  }
0x6e: {  	_ =	shalt  }
0x6f: {  	_ =	shalt  }
0x70: {  	_ =	shalt  }
0x71: {  	_ =	shalt  }
0x72: {  	_ =	shalt  }
0x73: {  	_ =	shalt  }
0x74: {  	_ =	shalt  }
0x75: {  	_ =	shalt  }
0x76: {  	_ =	shalt  }
0x77: {  	_ =	shalt  }
0x78: {  	_ =	shalt  }
0x79: {  	_ =	shalt  }
0x7a: {  	_ =	shalt  }
0x7b: {  	_ =	shalt  }
0x7c: {  	_ =	shalt  }
0x7d: {  	_ =	shalt  }
0x7e: {  	_ =	shalt  }
0x7f: {  	_ =	shalt  }
0x80: {  	_ =	shalt  }
0x81: {  	_ =	shalt  }
0x82: {  	_ =	shalt  }
0x83: {  	_ =	shalt  }
0x84: {  	_ =	shalt  }
0x85: {  	_ =	shalt  }
0x86: {  	_ =	shalt  }
0x87: {  	_ =	shalt  }
.Lfunc_end0:
.L_simem_size_0:
called_computation.3_lowered:
.L_overlay_start_0:
0x88: {  	s2 =	sld [smem:$0x3FD9]  }
0x89: {  	s3 =	sld [smem:$0x3FFE];
	_ =	sdelay $0x1  }
0x8a: {  	s1 =	srdreg.scid  }
0x8b: {  	s0 =	sand.u32 $0x1, s1  }
0x8c: {  	s16 =	sshll.u32 s0, $0xA;
	s2 =	sadd.s32 s3, s2  }
0x8d: {  	s2 =	sadd.s32 s2, s16  }
0x8e: {  	[smem:$0x3FB8] =	sst s2  }
0x8f: {  	_ = 	snop  }
0x90: {  	(tm) =	ssettm $0x1  }
0x91: {  	s17 =	sld [smem:$0x3FFB];
	_ =	sdelay $0x3  }
0x92: {  	_ =	strace s17  }
0x93: {  	s2 =	sld [smem:$0x3FFC];
	_ =	sdelay $0x3  }
0x94: {  	_ =	strace s2  }
0x95: {  	s2 =	sld [smem:$0x3FFD];
	_ =	sdelay $0x3  }
0x96: {  	_ =	strace s2  }
0x97: {  	_ =	strace $0x8FFFFFFF  }
0x98: {  	s18 =	sld [smem:$0x3FDB];
	_ =	sdelay $0x1  }
0x99: {  	s19 =	simm.s32 $_scs_section_size  }
0x9a: {  	s4 =	simm.s32 $_size__tile_overlayer_lowered;
	s5 =	simm.s32 $_tile_overlayer_lowered  }
0x9b: {  	s22 =	simm.s32 $0x1BFF;
	s21 =	sshll.u32 s5, $0x1;
	s2 =	sadd.s32 s19, s18  }
0x9c: {  	s6 =	simm.s32 $0x0;
	s20 =	sshll.u32 s4, $0x1;
	s4 =	sadd.s32 s21, s2  }
0x9d: {  	[timem:s6], [sflag:s22] =	dma.local [hbm:s4], s20  }
0x9e: {  	_ =	swait.ge [sflag:s22], s20  }
0x9f: {  	s3 =	ssub.s32 $0x0, s20;
	[sflag:s22] =	ssyncset.done $0x0  }
0xa0: {  	[sflag:s22] =	ssyncadd.s32 s3;
	_ =	sdelay $0x1  }
0xa1: {  	s23 =	simm.s32 $0x1B8B  }
0xa2: {  	_ =	swait.ge [sflag:s23], $0x1  }
0xa3: {  	[sflag:s23] =	ssyncset.done $0x0  }
0xa4: {  	s25 =	simm.s32 $0x1B8E;
	s24 =	sld [smem:$0x3FFE];
	[sflag:s23] =	ssyncadd.s32 $0xFFFFFFFF  }
0xa5: {  	s26 =	simm.s32 $execute0_lowered;
	[smem:$0x3FD2] =	sst s25  }
0xa6: {  	s4 =	sshll.u32 s26, $0x1;
	_ =	strace $0x8000004F;
	[dreg:$0x1] =	wrdreg $0xFFFFFFFF  }
0xa7: {  	s28 =	simm.s32 $_size_execute0_lowered;
	s2 =	sadd.s32 s2, s4;
	[dreg:$0x0] =	wrdreg $0x0  }
0xa8: {  	s4 =	sshll.u32 s28, $0x1;
	[dreg:$0x2] =	wrdreg s2  }
0xa9: {  	[dreg:$0x3] =	wrdreg s4  }
0xaa: {  	[dreg:$0x4] =	wrdreg $0xC0  }
0xab: {  	_ =	task [dreg:s6], $0x5FFFF  }
0xac: {  	[dreg:$0x1] =	wrdreg $0xFFFFFFFF  }
0xad: {  	[dreg:$0x0] =	wrdreg $0x60  }
0xae: {  	[dreg:$0x2] =	wrdreg s24  }
0xaf: {  	[dreg:$0x3] =	wrdreg $0x9  }
0xb0: {  	_ =	task.clear_ibuf [dreg:s6], $0x4FFFF;
	_ =	strace $0x9000004F  }
0xb1: {  	s29 =	simm.s32 $0x9;
	_ =	strace $0x80000051  }
0xb2: {  	_ =	swait.ge [sflag:s29], $0x1  }
0xb3: {  	[sflag:s29] =	ssyncadd.s32 $0xFFFFFFFF  }
0xb4: {  	_ =	strace $0x90000051  }
0xb5: {  	_ =	sfence  }
0xb6: {  	s30 =	sld [smem:$0x0];
	_ =	sdelay $0x2  }
0xb7: {  	s31 =	sshll.u32 s1, $0xD;
	s1 =	sshrl.u32 s1, $0x2  }
0xb8: {  	s3 =	sand.u32 $0x4000, s31;
	s1 =	sadd.s32 s1, s30  }
0xb9: {  	s0 =	sor.u32 s3, s0;
	s1 =	sshll.u32 s1, $0x11  }
0xba: {  	s0 =	sor.u32 s1, s0  }
0xbb: {  	s0 =	sadd.s32 $0x8F2B, s0  }
0xbc: {  	[sflag:s0] =	ssyncadd.remote.s32 $0x1  }
0xbd: {  	_ =	sfence.sel $0xFFFF  }
0xbe: {  	[dreg:$0x0] =	wrdreg $0xFFFFFFFF;
	(pc) =	sbr.abs _section_cstart, $3  }
0xbf: {  	[dreg:$0x1] =	wrdreg $0xFFFFFFFF  }
0xc0: {  	_ =	task.clear_ibuf [dreg:s6], $0x2FFFF;
	_ =	strace $0x9FFFFFFF  }
0xc1: {  	(tm) =	ssettm $0x7FFFFFFF  }
tec
execute0_lowered:
.L_overlay_start_1:
0x0: {  	(tag) =	ssettag $0x1  }
0x1: {  	s8 =	rddreg [dreg:$0x0]  }
0x2: {  	s0 =	rddreg [dreg:$0x1];
	_ =	strace $0x80000050;
	s1 =	stileid.u32  }
0x3: {  	s3 =	srdreg.scid;
	s4 =	simm.s32 $0x1;
	s7 =	simm.s32 $0x1  }
0x4: {  	s9 =	simm.s32 $0x1;
	s10 =	simm.s32 $0x3;
	s13 =	simm.s32 $0x0  }
0x5: {  	s12 =	simm.s32 $0x0;
	s5 =	sand.u32 $0x1, s3;
	s6 =	sshll.u32 s1, $0x1  }
0x6: {  	s2 =	sadd.s32 $0x22200, s8;
	s3 =	sadd.s32 $0x18200, s8;
	s5 =	sor.u32 s6, s5  }
.Ltmp0:
0x7: {  	[sflag:s4] =	ssyncpa.u1 $0x0;
	p0 =	slt.u32 s5, $0x9;
	(pc) =	sbr.rel .LBB2_1-.Ltmp0, $4  }
0x8: {  	s6 =	simm.s32 $0x2;
	s7 =	simm.s32 @!p0 $0x0;
	p0 =	sne.s32 s5, $0x8  }
0x9: {  	[sflag:s6] =	ssyncpa.u1 $0x0;
	s5 =	smul.u32 $0xFA0, s5;
	s9 =	simm.s32 @!p0 $0x0  }
0xa: {  	s8 =	sadd.s32 $0x27200, s8;
	[sflag:s10] =	ssyncpa.u1 $0x0;
	s7 =	sadd.s32 s9, s7  }
0xb: {  	vm0 =	vmmov $0xffff;
	s10 =	simm.s32 $0x0;
	s11 =	smov.u32 s5;
	s9 =	sadd.s32 $0x1, s7  }
.LBB2_4:
0xc: {  	v2 =	vnsel vm1, $0x0, v2  }
0xd: {  	vm1 =	vgt.s32 v0, $0x0;
	v2 =	vmin.u32 v2, $0x27FFF  }
0xe: {  	v0 =	vnsel vm1, $0x0, v0  }
0xf: {  	v0 =	vmin.u32 v0, $0x27FFF  }
0x10: {  	[tilespmem:s18], [sflag:$0x1] =	stream.indirect_vreg.gather [hbm4b:s2+s10], $0x1, v1, vm0, $0x4038;
	[tilespmem:$0x3E80] =	vst v63  }
0x11: {  	(ifvalue) =	ssetifvalue $0x7FFFFFFF  }
0x12: {  	[tilespmem:s15], [sflag:$0x1] =	stream.indirect_vreg.gather [hbm4b:s2+s10], $0x1, v2, vm0, $0x4038;
	[tilespmem:$0x3E80] =	vst v63  }
0x13: {  	s29 =	sadd.s32 $0x10, s15;
	(ifvalue) =	ssetifvalue $0x7FFFFFFF  }
0x14: {  	[tilespmem:s29], [sflag:$0x1] =	stream.indirect_vreg.gather [hbm4b:s2+s10], $0x1, v0, vm0, $0x4038;
	[tilespmem:$0x3E80] =	vst v63  }
0x15: {  	_ =	swait.ge [sflag:s4], $0xFA0  }
0x16: {  	s30 =	sshrl.u32 s13, $0x3;
	[sflag:s4] =	ssyncset.done $0x0  }
0x17: {  	s31 =	sand.u32 $0x7, s13;
	s15 =	sadd.s32 s8, s30;
	[sflag:s4] =	ssyncadd.s32 $0xFFFFF060  }
0x18: {  	[hbm4b:s15+s31] =	stream.linear.scatter [tilespmem:s14], [sflag:$0x3], $0xFA0, $0x38;
	[tilespmem:$0x3E80] =	vst v63  }
.LBB2_5:
0x19: {  	s15 =	sadd.s32 $0x1F400, s11  }
0x1a: {  	p1 =	sgt.s32 s15, $0x270FF  }
0x1b: {  	s15 =	smov.u32 @p1 s5;
	p1 =	sne.s32 s12, s9  }
.Ltmp1:
0x1c: {  	p0 =	slt.u32 s12, $0x2;
	(pc) =	sbr.rel @!p1 .LBB2_6-.Ltmp1, $4  }
0x1d: {  	s14 =	simm.s32 @!p0 $0x3  }
0x1e: {  	_ =	swait.ge @!p0 [sflag:s14], $0xFA0  }
0x1f: {  	s16 =	sadd.s32 $0x1, s12;
	s13 =	smov.u32 s11;
	[sflag:s14] =	ssyncset.done @!p0 $0x0  }
0x20: {  	s12 =	smov.u32 s16;
	s11 =	smov.u32 s15;
	[sflag:s14] =	ssyncadd.s32 @!p0 $0xFFFFF060  }
.LBB2_1:
0x21: {  	p0 =	sge.u32 s12, s7  }
0x22: {  	s14 =	sxor.u32 @!p0 $0x1, s12  }
0x23: {  	s14 =	smul.u32 @!p0 $0x3E80, s14  }
0x24: {  	s31 =	sadd.s32 $0xFFFFFFFF, s12;
	s15 =	sshrl.u32 @!p0 s11, $0x3  }
0x25: {  	s16 =	sand.u32 @!p0 $0x7, s11;
	s15 =	sadd.s32 @!p0 s3, s15;
	s14 =	sshra.s32 @!p0 s14, $0x2  }
0x26: {  	[tilespmem:s14], [sflag:$0x2] =	stream.linear.gather @!p0 [hbm4b:s15+s16], $0xFA0, $0x38;
	[tilespmem:$0x3E80] =	vst v63  }
0x27: {  	p0 =	sge.u32 s31, s7  }
.Ltmp2:
0x28: {  	_ = 	snop;
	(pc) =	sbr.rel @p0 .LBB2_5-.Ltmp2, $1  }
0x29: {  	_ =	sdelay $0x3  }
0x2a: {  	s14 =	sand.u32 $0x1, s12  }
0x2b: {  	_ =	swait.ge [sflag:s6], $0xFA0;
	p0 =	seq.s32 s14, $0x1;
	s14 =	simm.s32 $0xFA0  }
0x2c: {  	[sflag:s6] =	ssyncset.done $0x0;
	s14 =	simm.s32 @!p0 $0x0  }
0x2d: {  	[sflag:s6] =	ssyncadd.s32 $0xFFFFF060;
	(ifvalue) =	ssetifvalue $0x7FFFFFFF;
	v0 =	vld.msk [tilespmem:s14+$0x0 ss:$0x1], $0xffff;
	_ =	sdelay $0x4  }
0x2e: {  	s15 =	sadd.s32 $0x10, s14;
	vm1 =	vgt.s32 v0, $0x0  }
0x2f: {  	v2 =	vld.msk [tilespmem:s15+$0x0 ss:$0x1], $0xffff;
	v1 =	vnsel vm1, $0x0, v0  }
0x30: {  	v1 =	vmin.u32 v1, $0x27FFF;
	_ =	sdelay $0x2  }
0x31: {  	s17 =	simm.s32 $0x20;
	s14 =	sadd.s32 $0x1F40, s14;
	s16 =	sadd.s32 $0x10, s15  }
0x32: {  	s15 =	sadd.s32 $0x10, s14;
	s18 =	smov.u32 s14;
	v0 =	vld.msk [tilespmem:s16+$0x0 ss:$0x1], $0xffff;
	vm1 =	vgt.s32 v2, $0x0;
	(ifvalue) =	ssetifvalue $0x7FFFFFFF  }
.LBB2_3:
0x33: {  	[tilespmem:s18], [sflag:$0x1] =	stream.indirect_vreg.gather [hbm4b:s2+s10], $0x1, v1, vm0, $0x4038;
	[tilespmem:$0x3E80] =	vst v63  }
0x34: {  	s17 =	sadd.s32 $0x10, s17  }
0x35: {  	v2 =	vnsel vm1, $0x0, v2;
	p0 =	slt.u32 s17, $0xF90  }
.Ltmp3:
0x36: {  	s18 =	smov.u32 s15;
	v1 =	vmin.u32 v2, $0x27FFF;
	(pc) =	sbr.rel @p0 .LBB2_3-.Ltmp3, $3  }
0x37: {  	_ =	sdelay $0x1  }
0x38: {  	s16 =	sadd.s32 $0x10, s16  }
0x39: {  	vm1 =	vgt.s32 v0, $0x0;
	s15 =	sadd.s32 $0x10, s15;
	v2 =	vmov v0;
	(ifvalue) =	ssetifvalue $0x7FFFFFFF;
	v0 =	vld.msk [tilespmem:s16+$0x0 ss:$0x1], $0xffff  }
.Ltmp4:
0x3a: {  	_ = 	snop;
	(pc) =	sbr.rel .LBB2_4-.Ltmp4, $1  }
0x3b: {  	_ =	sdelay $0x3  }
.LBB2_6:
0x3c: {  	_ =	sfence.sel $0x180000  }
0x3d: {  	s2 =	simm.s32 $0x2;
	[bflag:$0x0] =	sbarrier.arrive $0xFFFF  }
0x3e: {  	s30 =	simm.s32 $0x3;
	[sflag:s2] =	ssyncpa.u1 $0x1  }
0x3f: {  	s31 =	simm.s32 $0x1;
	[sflag:s30] =	ssyncpa.u1 $0x1  }
0x40: {  	[sflag:s31] =	ssyncpa.u1 $0x1  }
0x41: {  	p0 =	sne.s32 s1, $0x0;
	_ =	strace $0x90000050  }
0x42: {  	s0 =	sadd.s32 @!p0 $0x100000, s0;
	[bflag:$0x2] =	sbarrier.arrive $0xFFFF  }
0x43: {  	[sflag:s0] =	ssyncadd.tile.s32 @!p0 $0x1;
	_ =	shalt  }
.Lfunc_end2:
_tile_overlayer_lowered:
.L_overlay_start_2:
0x44: {  	(tag) =	ssettag $0x2  }
0x45: {  	s0 =	rddreg [dreg:$0x0];
	s2 =	stileid.u32  }
0x46: {  	s1 =	rddreg [dreg:$0x1];
	p0 =	sne.s32 s2, $0x0  }
0x47: {  	s3 =	rddreg [dreg:$0x2];
	[bflag:$0x3] =	sbarrier.arrive $0xFFFF;
	s2 =	simm.s32 @!p0 $0x1C01  }
0x48: {  	[timem:s3], [sflag:s2] =	dma.local @!p0 [hbm:s0], s1  }
0x49: {  	s0 =	simm.s32 @!p0 $0x1  }
0x4a: {  	_ =	swait.ge @!p0 [sflag:s0], s1  }
0x4b: {  	s1 =	ssub.s32 @!p0 $0x0, s1;
	[sflag:s0] =	ssyncset.done @!p0 $0x0  }
0x4c: {  	[sflag:s0] =	ssyncadd.s32 @!p0 s1  }
0x4d: {  	[bflag:$0x3] =	sbarrier.arrive $0xFFFF  }
0x4e: {  	_ =	shalt  }

// kernel: gather_offload_async_start.2
scs
__scs_entry_jumppad:
0x0: {  	(pc) =	sbr.rel $0x88, $3  }
0x1: {  	(tag) =	ssettag $0x0;
	lr =	simm.s32 $0x1  }
0x2: {  	[smem:$0x3F91] =	sst lr;
	_ =	strace $0xD0000000  }
0x3: {  	_ = 	snop  }
0x4: {  	_ = 	snop  }
0x5: {  	_ = 	snop  }
0x6: {  	_ = 	snop  }
0x7: {  	_ = 	snop  }
__scs_overlays_trampoline_lowered:
0x8: {  	[smem:$0x3FA0] =	sst s0  }
0x9: {  	[smem:$0x3FA1] =	sst s1  }
0xa: {  	[smem:$0x3FA2] =	sst s2  }
0xb: {  	[smem:$0x3FA3] =	sst s3  }
0xc: {  	[smem:$0x3FA4] =	sst s4  }
0xd: {  	[smem:$0x3FA5] =	sst s5  }
0xe: {  	[smem:$0x3FA6] =	sst s6  }
0xf: {  	[smem:$0x3FA7] =	sst s7  }
0x10: {  	[smem:$0x3FA8] =	sst s8  }
0x11: {  	[smem:$0x3FA9] =	sst s9;
	s0 =	simm.s32 @!p0 $0x0  }
0x12: {  	s1 =	sld [smem:$0x3F8F];
	s0 =	simm.s32 @p0 $0x1  }
0x13: {  	[smem:$0x3FAA] =	sst s0;
	s0 =	simm.s32 @!p1 $0x0  }
0x14: {  	s2 =	sld [smem:$0x3F8E];
	s0 =	simm.s32 @p1 $0x1  }
0x15: {  	[smem:$0x3FAB] =	sst s0;
	s0 =	simm.s32 @!p2 $0x0  }
0x16: {  	s3 =	sld [smem:$0x3FDB];
	s0 =	simm.s32 @p2 $0x1  }
0x17: {  	s4 =	simm.s32 $0x1BF5;
	[smem:$0x3FAD] =	sst s0  }
0x18: {  	s0 =	sld [smem:$0x3F90];
	_ =	swait.ge [sflag:s4], $0x0  }
0x19: {  	s7 =	sld [smem:$0x3F91]  }
0x1a: {  	s8 =	sadd.s32 $0xFFFFE003, lr  }
0x1b: {  	s9 =	sadd.s32 $0xFFFFFEF7, lr;
	s5 =	simm.s32 $0xFFFFFFFF;
	p2 =	slt.u32 s8, $0xFFFFF086  }
0x1c: {  	p1 =	slt.u32 s9, $0xF7A;
	s5 =	simm.s32 @!p2 $0x0  }
0x1d: {  	s5 =	simm.s32 @p1 $0x1;
	p0 =	seq.s32 s7, s2  }
0x1e: {  	s7 =	smul.u32 @!p0 $0xF7A, s2;
	p2 =	seq.s32 @!p0 s5, $0x0  }
0x1f: {  	s9 =	smul.u32 $0xF7A, s1;
	s8 =	simm.s32 @!p0 $0x1BF5;
	p2 =	por !p2, p0  }
0x20: {  	[sflag:s8] =	ssyncset.s32 @!p0 $0xFFFFF086;
	s6 =	sadd.s32 @!p0 s3, s7;
	s7 =	simm.s32 @!p0 $0x108  }
0x21: {  	s3 =	sadd.s32 s3, s9;
	s6 =	sadd.s32 @!p0 $0x88, s6;
	s7 =	simm.s32 @p2 $0x1082  }
0x22: {  	[simem:s7], [sflag:s8] =	dma.local @!p0 [hbm:s6], $0xF7A  }
0x23: {  	s9 =	sor.u32 $0xD0000000, s2;
	s6 =	simm.s32 $0x108;
	_ =	swait.ge @!p0 [sflag:s8], $0x0  }
0x24: {  	s3 =	sadd.s32 $0x88, s3;
	s6 =	simm.s32 @!p1 $0x1082;
	[sflag:s4] =	ssyncset.s32 $0xFFFFF086  }
0x25: {  	[simem:s6], [sflag:s4] =	dma.local [hbm:s3], $0xF7A  }
0x26: {  	[smem:$0x3F91] =	sst s1;
	(tag) =	ssettag s2;
	_ =	strace s9  }
0x27: {  	s1 =	sld [smem:$0x3FA1]  }
0x28: {  	s2 =	sld [smem:$0x3FA2]  }
0x29: {  	s4 =	sld [smem:$0x3FA4]  }
0x2a: {  	p0 =	seq.s32 s5, $0x0;
	s5 =	sld [smem:$0x3FA5]  }
0x2b: {  	s6 =	sld [smem:$0x3FA6]  }
0x2c: {  	s7 =	sld [smem:$0x3FA7]  }
0x2d: {  	s3 =	simm.s32 $0x108;
	s8 =	sld [smem:$0x3FA8]  }
0x2e: {  	s3 =	simm.s32 @!p0 $0x1082;
	s9 =	sld [smem:$0x3FA9]  }
0x2f: {  	lr =	sadd.s32 s0, s3;
	s0 =	sld [smem:$0x3FA0]  }
0x30: {  	s3 =	sld [smem:$0x3FA3]  }
0x31: {  	[smem:$0x3FAC] =	sst s10  }
0x32: {  	s10 =	sld [smem:$0x3FAA];
	_ =	sdelay $0x3  }
0x33: {  	p0 =	seq.s32 s10, $0x1;
	s10 =	sld [smem:$0x3FAC];
	_ =	sdelay $0x3  }
0x34: {  	[smem:$0x3FAC] =	sst s10  }
0x35: {  	s10 =	sld [smem:$0x3FAB];
	_ =	sdelay $0x3  }
0x36: {  	p1 =	seq.s32 s10, $0x1;
	s10 =	sld [smem:$0x3FAC];
	_ =	sdelay $0x3  }
0x37: {  	[smem:$0x3FAC] =	sst s10  }
0x38: {  	s10 =	sld [smem:$0x3FAD]  }
0x39: {  	_ = 	snop;
	(pc) =	sbr.ind lr, $3  }
0x3a: {  	_ = 	snop  }
0x3b: {  	_ = 	snop  }
0x3c: {  	p2 =	seq.s32 s10, $0x1;
	s10 =	sld [smem:$0x3FAC]  }
0x3d: {  	_ =	shalt  }
0x3e: {  	_ =	shalt  }
0x3f: {  	_ =	shalt  }
0x40: {  	_ =	shalt  }
0x41: {  	_ =	shalt  }
0x42: {  	_ =	shalt  }
0x43: {  	_ =	shalt  }
0x44: {  	_ =	shalt  }
0x45: {  	_ =	shalt  }
0x46: {  	_ =	shalt  }
0x47: {  	_ =	shalt  }
0x48: {  	_ =	shalt  }
0x49: {  	_ =	shalt  }
0x4a: {  	_ =	shalt  }
0x4b: {  	_ =	shalt  }
0x4c: {  	_ =	shalt  }
0x4d: {  	_ =	shalt  }
0x4e: {  	_ =	shalt  }
0x4f: {  	_ =	shalt  }
0x50: {  	_ =	shalt  }
0x51: {  	_ =	shalt  }
0x52: {  	_ =	shalt  }
0x53: {  	_ =	shalt  }
0x54: {  	_ =	shalt  }
0x55: {  	_ =	shalt  }
0x56: {  	_ =	shalt  }
0x57: {  	_ =	shalt  }
0x58: {  	_ =	shalt  }
0x59: {  	_ =	shalt  }
0x5a: {  	_ =	shalt  }
0x5b: {  	_ =	shalt  }
0x5c: {  	_ =	shalt  }
0x5d: {  	_ =	shalt  }
0x5e: {  	_ =	shalt  }
0x5f: {  	_ =	shalt  }
0x60: {  	_ =	shalt  }
0x61: {  	_ =	shalt  }
0x62: {  	_ =	shalt  }
0x63: {  	_ =	shalt  }
0x64: {  	_ =	shalt  }
0x65: {  	_ =	shalt  }
0x66: {  	_ =	shalt  }
0x67: {  	_ =	shalt  }
0x68: {  	_ =	shalt  }
0x69: {  	_ =	shalt  }
0x6a: {  	_ =	shalt  }
0x6b: {  	_ =	shalt  }
0x6c: {  	_ =	shalt  }
0x6d: {  	_ =	shalt  }
0x6e: {  	_ =	shalt  }
0x6f: {  	_ =	shalt  }
0x70: {  	_ =	shalt  }
0x71: {  	_ =	shalt  }
0x72: {  	_ =	shalt  }
0x73: {  	_ =	shalt  }
0x74: {  	_ =	shalt  }
0x75: {  	_ =	shalt  }
0x76: {  	_ =	shalt  }
0x77: {  	_ =	shalt  }
0x78: {  	_ =	shalt  }
0x79: {  	_ =	shalt  }
0x7a: {  	_ =	shalt  }
0x7b: {  	_ =	shalt  }
0x7c: {  	_ =	shalt  }
0x7d: {  	_ =	shalt  }
0x7e: {  	_ =	shalt  }
0x7f: {  	_ =	shalt  }
0x80: {  	_ =	shalt  }
0x81: {  	_ =	shalt  }
0x82: {  	_ =	shalt  }
0x83: {  	_ =	shalt  }
0x84: {  	_ =	shalt  }
0x85: {  	_ =	shalt  }
0x86: {  	_ =	shalt  }
0x87: {  	_ =	shalt  }
.Lfunc_end0:
.L_simem_size_0:
called_computation.4_lowered:
.L_overlay_start_0:
0x88: {  	s2 =	sld [smem:$0x3FD9]  }
0x89: {  	s3 =	sld [smem:$0x3FFE];
	_ =	sdelay $0x1  }
0x8a: {  	s1 =	srdreg.scid  }
0x8b: {  	s0 =	sand.u32 $0x1, s1  }
0x8c: {  	s16 =	sshll.u32 s0, $0xA;
	s2 =	sadd.s32 s3, s2  }
0x8d: {  	s2 =	sadd.s32 s2, s16  }
0x8e: {  	[smem:$0x3FB8] =	sst s2  }
0x8f: {  	_ = 	snop  }
0x90: {  	(tm) =	ssettm $0x1  }
0x91: {  	s17 =	sld [smem:$0x3FFB];
	_ =	sdelay $0x3  }
0x92: {  	_ =	strace s17  }
0x93: {  	s2 =	sld [smem:$0x3FFC];
	_ =	sdelay $0x3  }
0x94: {  	_ =	strace s2  }
0x95: {  	s2 =	sld [smem:$0x3FFD];
	_ =	sdelay $0x3  }
0x96: {  	_ =	strace s2  }
0x97: {  	_ =	strace $0x8FFFFFFF  }
0x98: {  	s18 =	sld [smem:$0x3FDB];
	_ =	sdelay $0x1  }
0x99: {  	s19 =	simm.s32 $_scs_section_size  }
0x9a: {  	s4 =	simm.s32 $_size__tile_overlayer_lowered;
	s5 =	simm.s32 $_tile_overlayer_lowered  }
0x9b: {  	s22 =	simm.s32 $0x1BFF;
	s21 =	sshll.u32 s5, $0x1;
	s2 =	sadd.s32 s19, s18  }
0x9c: {  	s6 =	simm.s32 $0x0;
	s20 =	sshll.u32 s4, $0x1;
	s4 =	sadd.s32 s21, s2  }
0x9d: {  	[timem:s6], [sflag:s22] =	dma.local [hbm:s4], s20  }
0x9e: {  	_ =	swait.ge [sflag:s22], s20  }
0x9f: {  	s3 =	ssub.s32 $0x0, s20;
	[sflag:s22] =	ssyncset.done $0x0  }
0xa0: {  	[sflag:s22] =	ssyncadd.s32 s3;
	_ =	sdelay $0x1  }
0xa1: {  	s23 =	simm.s32 $0x1B8B  }
0xa2: {  	_ =	swait.ge [sflag:s23], $0x1  }
0xa3: {  	[sflag:s23] =	ssyncset.done $0x0  }
0xa4: {  	s25 =	simm.s32 $0x1B8E;
	s24 =	sld [smem:$0x3FFE];
	[sflag:s23] =	ssyncadd.s32 $0xFFFFFFFF  }
0xa5: {  	s26 =	simm.s32 $execute0_lowered;
	[smem:$0x3FD2] =	sst s25  }
0xa6: {  	s4 =	sshll.u32 s26, $0x1;
	_ =	strace $0x80000052;
	[dreg:$0x1] =	wrdreg $0xFFFFFFFF  }
0xa7: {  	s28 =	simm.s32 $_size_execute0_lowered;
	s2 =	sadd.s32 s2, s4;
	[dreg:$0x0] =	wrdreg $0x0  }
0xa8: {  	s4 =	sshll.u32 s28, $0x1;
	[dreg:$0x2] =	wrdreg s2  }
0xa9: {  	[dreg:$0x3] =	wrdreg s4  }
0xaa: {  	[dreg:$0x4] =	wrdreg $0xC0  }
0xab: {  	_ =	task [dreg:s6], $0x5FFFF  }
0xac: {  	[dreg:$0x1] =	wrdreg $0xFFFFFFFF  }
0xad: {  	[dreg:$0x0] =	wrdreg $0x60  }
0xae: {  	[dreg:$0x2] =	wrdreg s24  }
0xaf: {  	[dreg:$0x3] =	wrdreg $0x9  }
0xb0: {  	_ =	task.clear_ibuf [dreg:s6], $0x4FFFF;
	_ =	strace $0x90000052  }
0xb1: {  	s29 =	simm.s32 $0x9;
	_ =	strace $0x80000054  }
0xb2: {  	_ =	swait.ge [sflag:s29], $0x1  }
0xb3: {  	[sflag:s29] =	ssyncadd.s32 $0xFFFFFFFF  }
0xb4: {  	_ =	strace $0x90000054  }
0xb5: {  	_ =	sfence  }
0xb6: {  	s30 =	sld [smem:$0x0];
	_ =	sdelay $0x2  }
0xb7: {  	s31 =	sshll.u32 s1, $0xD;
	s1 =	sshrl.u32 s1, $0x2  }
0xb8: {  	s3 =	sand.u32 $0x4000, s31;
	s1 =	sadd.s32 s1, s30  }
0xb9: {  	s0 =	sor.u32 s3, s0;
	s1 =	sshll.u32 s1, $0x11  }
0xba: {  	s0 =	sor.u32 s1, s0  }
0xbb: {  	s0 =	sadd.s32 $0x8F2B, s0  }
0xbc: {  	[sflag:s0] =	ssyncadd.remote.s32 $0x1  }
0xbd: {  	_ =	sfence.sel $0xFFFF  }
0xbe: {  	[dreg:$0x0] =	wrdreg $0xFFFFFFFF;
	(pc) =	sbr.abs _section_cstart, $3  }
0xbf: {  	[dreg:$0x1] =	wrdreg $0xFFFFFFFF  }
0xc0: {  	_ =	task.clear_ibuf [dreg:s6], $0x2FFFF;
	_ =	strace $0x9FFFFFFF  }
0xc1: {  	(tm) =	ssettm $0x7FFFFFFF  }
tec
execute0_lowered:
.L_overlay_start_1:
0x0: {  	(tag) =	ssettag $0x1  }
0x1: {  	s8 =	rddreg [dreg:$0x0]  }
0x2: {  	s0 =	rddreg [dreg:$0x1];
	_ =	strace $0x80000053;
	s1 =	stileid.u32  }
0x3: {  	s3 =	srdreg.scid;
	s4 =	simm.s32 $0x1;
	s7 =	simm.s32 $0x1  }
0x4: {  	s9 =	simm.s32 $0x1;
	s10 =	simm.s32 $0x3;
	s13 =	simm.s32 $0x0  }
0x5: {  	s12 =	simm.s32 $0x0;
	s5 =	sand.u32 $0x1, s3;
	s6 =	sshll.u32 s1, $0x1  }
0x6: {  	s2 =	sadd.s32 $0x5000, s8;
	s3 =	sadd.s32 $0xF000, s8;
	s5 =	sor.u32 s6, s5  }
.Ltmp0:
0x7: {  	[sflag:s4] =	ssyncpa.u1 $0x0;
	p0 =	slt.u32 s5, $0x9;
	(pc) =	sbr.rel .LBB2_1-.Ltmp0, $4  }
0x8: {  	s6 =	simm.s32 $0x2;
	s7 =	simm.s32 @!p0 $0x0;
	p0 =	sne.s32 s5, $0x8  }
0x9: {  	[sflag:s6] =	ssyncpa.u1 $0x0;
	s5 =	smul.u32 $0xFA0, s5;
	s9 =	simm.s32 @!p0 $0x0  }
0xa: {  	s8 =	sadd.s32 $0x18200, s8;
	[sflag:s10] =	ssyncpa.u1 $0x0;
	s7 =	sadd.s32 s9, s7  }
0xb: {  	vm0 =	vmmov $0xffff;
	s10 =	simm.s32 $0x0;
	s11 =	smov.u32 s5;
	s9 =	sadd.s32 $0x1, s7  }
.LBB2_4:
0xc: {  	v2 =	vnsel vm1, $0x0, v2  }
0xd: {  	vm1 =	vgt.s32 v0, $0x0;
	v2 =	vmin.u32 v2, $0x270FF  }
0xe: {  	v0 =	vnsel vm1, $0x0, v0  }
0xf: {  	v0 =	vmin.u32 v0, $0x270FF  }
0x10: {  	[tilespmem:s18], [sflag:$0x1] =	stream.indirect_vreg.gather [hbm4b:s2+s10], $0x1, v1, vm0, $0x4038;
	[tilespmem:$0x3E80] =	vst v63  }
0x11: {  	(ifvalue) =	ssetifvalue $0x7FFFFFFF  }
0x12: {  	[tilespmem:s15], [sflag:$0x1] =	stream.indirect_vreg.gather [hbm4b:s2+s10], $0x1, v2, vm0, $0x4038;
	[tilespmem:$0x3E80] =	vst v63  }
0x13: {  	s29 =	sadd.s32 $0x10, s15;
	(ifvalue) =	ssetifvalue $0x7FFFFFFF  }
0x14: {  	[tilespmem:s29], [sflag:$0x1] =	stream.indirect_vreg.gather [hbm4b:s2+s10], $0x1, v0, vm0, $0x4038;
	[tilespmem:$0x3E80] =	vst v63  }
0x15: {  	_ =	swait.ge [sflag:s4], $0xFA0  }
0x16: {  	s30 =	sshrl.u32 s13, $0x3;
	[sflag:s4] =	ssyncset.done $0x0  }
0x17: {  	s31 =	sand.u32 $0x7, s13;
	s15 =	sadd.s32 s8, s30;
	[sflag:s4] =	ssyncadd.s32 $0xFFFFF060  }
0x18: {  	[hbm4b:s15+s31] =	stream.linear.scatter [tilespmem:s14], [sflag:$0x3], $0xFA0, $0x38;
	[tilespmem:$0x3E80] =	vst v63  }
.LBB2_5:
0x19: {  	s15 =	sadd.s32 $0x1F400, s11  }
0x1a: {  	p1 =	sgt.s32 s15, $0x270FF  }
0x1b: {  	s15 =	smov.u32 @p1 s5;
	p1 =	sne.s32 s12, s9  }
.Ltmp1:
0x1c: {  	p0 =	slt.u32 s12, $0x2;
	(pc) =	sbr.rel @!p1 .LBB2_6-.Ltmp1, $4  }
0x1d: {  	s14 =	simm.s32 @!p0 $0x3  }
0x1e: {  	_ =	swait.ge @!p0 [sflag:s14], $0xFA0  }
0x1f: {  	s16 =	sadd.s32 $0x1, s12;
	s13 =	smov.u32 s11;
	[sflag:s14] =	ssyncset.done @!p0 $0x0  }
0x20: {  	s12 =	smov.u32 s16;
	s11 =	smov.u32 s15;
	[sflag:s14] =	ssyncadd.s32 @!p0 $0xFFFFF060  }
.LBB2_1:
0x21: {  	p0 =	sge.u32 s12, s7  }
0x22: {  	s14 =	sxor.u32 @!p0 $0x1, s12  }
0x23: {  	s14 =	smul.u32 @!p0 $0x3E80, s14  }
0x24: {  	s31 =	sadd.s32 $0xFFFFFFFF, s12;
	s15 =	sshrl.u32 @!p0 s11, $0x3  }
0x25: {  	s16 =	sand.u32 @!p0 $0x7, s11;
	s15 =	sadd.s32 @!p0 s3, s15;
	s14 =	sshra.s32 @!p0 s14, $0x2  }
0x26: {  	[tilespmem:s14], [sflag:$0x2] =	stream.linear.gather @!p0 [hbm4b:s15+s16], $0xFA0, $0x38;
	[tilespmem:$0x3E80] =	vst v63  }
0x27: {  	p0 =	sge.u32 s31, s7  }
.Ltmp2:
0x28: {  	_ = 	snop;
	(pc) =	sbr.rel @p0 .LBB2_5-.Ltmp2, $1  }
0x29: {  	_ =	sdelay $0x3  }
0x2a: {  	s14 =	sand.u32 $0x1, s12  }
0x2b: {  	_ =	swait.ge [sflag:s6], $0xFA0;
	p0 =	seq.s32 s14, $0x1;
	s14 =	simm.s32 $0xFA0  }
0x2c: {  	[sflag:s6] =	ssyncset.done $0x0;
	s14 =	simm.s32 @!p0 $0x0  }
0x2d: {  	[sflag:s6] =	ssyncadd.s32 $0xFFFFF060;
	(ifvalue) =	ssetifvalue $0x7FFFFFFF;
	v0 =	vld.msk [tilespmem:s14+$0x0 ss:$0x1], $0xffff;
	_ =	sdelay $0x4  }
0x2e: {  	s15 =	sadd.s32 $0x10, s14;
	vm1 =	vgt.s32 v0, $0x0  }
0x2f: {  	v2 =	vld.msk [tilespmem:s15+$0x0 ss:$0x1], $0xffff;
	v1 =	vnsel vm1, $0x0, v0  }
0x30: {  	v1 =	vmin.u32 v1, $0x270FF;
	_ =	sdelay $0x2  }
0x31: {  	s17 =	simm.s32 $0x20;
	s14 =	sadd.s32 $0x1F40, s14;
	s16 =	sadd.s32 $0x10, s15  }
0x32: {  	s15 =	sadd.s32 $0x10, s14;
	s18 =	smov.u32 s14;
	v0 =	vld.msk [tilespmem:s16+$0x0 ss:$0x1], $0xffff;
	vm1 =	vgt.s32 v2, $0x0;
	(ifvalue) =	ssetifvalue $0x7FFFFFFF  }
.LBB2_3:
0x33: {  	[tilespmem:s18], [sflag:$0x1] =	stream.indirect_vreg.gather [hbm4b:s2+s10], $0x1, v1, vm0, $0x4038;
	[tilespmem:$0x3E80] =	vst v63  }
0x34: {  	s17 =	sadd.s32 $0x10, s17  }
0x35: {  	v2 =	vnsel vm1, $0x0, v2;
	p0 =	slt.u32 s17, $0xF90  }
.Ltmp3:
0x36: {  	s18 =	smov.u32 s15;
	v1 =	vmin.u32 v2, $0x270FF;
	(pc) =	sbr.rel @p0 .LBB2_3-.Ltmp3, $3  }
0x37: {  	_ =	sdelay $0x1  }
0x38: {  	s16 =	sadd.s32 $0x10, s16  }
0x39: {  	vm1 =	vgt.s32 v0, $0x0;
	s15 =	sadd.s32 $0x10, s15;
	v2 =	vmov v0;
	(ifvalue) =	ssetifvalue $0x7FFFFFFF;
	v0 =	vld.msk [tilespmem:s16+$0x0 ss:$0x1], $0xffff  }
.Ltmp4:
0x3a: {  	_ = 	snop;
	(pc) =	sbr.rel .LBB2_4-.Ltmp4, $1  }
0x3b: {  	_ =	sdelay $0x3  }
.LBB2_6:
0x3c: {  	_ =	sfence.sel $0x180000  }
0x3d: {  	s2 =	simm.s32 $0x2;
	[bflag:$0x0] =	sbarrier.arrive $0xFFFF  }
0x3e: {  	s30 =	simm.s32 $0x3;
	[sflag:s2] =	ssyncpa.u1 $0x1  }
0x3f: {  	s31 =	simm.s32 $0x1;
	[sflag:s30] =	ssyncpa.u1 $0x1  }
0x40: {  	[sflag:s31] =	ssyncpa.u1 $0x1  }
0x41: {  	p0 =	sne.s32 s1, $0x0;
	_ =	strace $0x90000053  }
0x42: {  	s0 =	sadd.s32 @!p0 $0x100000, s0;
	[bflag:$0x2] =	sbarrier.arrive $0xFFFF  }
0x43: {  	[sflag:s0] =	ssyncadd.tile.s32 @!p0 $0x1;
	_ =	shalt  }
.Lfunc_end2:
_tile_overlayer_lowered:
.L_overlay_start_2:
0x44: {  	(tag) =	ssettag $0x2  }
0x45: {  	s0 =	rddreg [dreg:$0x0];
	s2 =	stileid.u32  }
0x46: {  	s1 =	rddreg [dreg:$0x1];
	p0 =	sne.s32 s2, $0x0  }
0x47: {  	s3 =	rddreg [dreg:$0x2];
	[bflag:$0x3] =	sbarrier.arrive $0xFFFF;
	s2 =	simm.s32 @!p0 $0x1C01  }
0x48: {  	[timem:s3], [sflag:s2] =	dma.local @!p0 [hbm:s0], s1  }
0x49: {  	s0 =	simm.s32 @!p0 $0x1  }
0x4a: {  	_ =	swait.ge @!p0 [sflag:s0], s1  }
0x4b: {  	s1 =	ssub.s32 @!p0 $0x0, s1;
	[sflag:s0] =	ssyncset.done @!p0 $0x0  }
0x4c: {  	[sflag:s0] =	ssyncadd.s32 @!p0 s1  }
0x4d: {  	[bflag:$0x3] =	sbarrier.arrive $0xFFFF  }
0x4e: {  	_ =	shalt  }

// kernel: gather_offload_async_start.3
scs
__scs_entry_jumppad:
0x0: {  	(pc) =	sbr.rel $0x88, $3  }
0x1: {  	(tag) =	ssettag $0x0;
	lr =	simm.s32 $0x1  }
0x2: {  	[smem:$0x3F91] =	sst lr;
	_ =	strace $0xD0000000  }
0x3: {  	_ = 	snop  }
0x4: {  	_ = 	snop  }
0x5: {  	_ = 	snop  }
0x6: {  	_ = 	snop  }
0x7: {  	_ = 	snop  }
__scs_overlays_trampoline_lowered:
0x8: {  	[smem:$0x3FA0] =	sst s0  }
0x9: {  	[smem:$0x3FA1] =	sst s1  }
0xa: {  	[smem:$0x3FA2] =	sst s2  }
0xb: {  	[smem:$0x3FA3] =	sst s3  }
0xc: {  	[smem:$0x3FA4] =	sst s4  }
0xd: {  	[smem:$0x3FA5] =	sst s5  }
0xe: {  	[smem:$0x3FA6] =	sst s6  }
0xf: {  	[smem:$0x3FA7] =	sst s7  }
0x10: {  	[smem:$0x3FA8] =	sst s8  }
0x11: {  	[smem:$0x3FA9] =	sst s9;
	s0 =	simm.s32 @!p0 $0x0  }
0x12: {  	s1 =	sld [smem:$0x3F8F];
	s0 =	simm.s32 @p0 $0x1  }
0x13: {  	[smem:$0x3FAA] =	sst s0;
	s0 =	simm.s32 @!p1 $0x0  }
0x14: {  	s2 =	sld [smem:$0x3F8E];
	s0 =	simm.s32 @p1 $0x1  }
0x15: {  	[smem:$0x3FAB] =	sst s0;
	s0 =	simm.s32 @!p2 $0x0  }
0x16: {  	s3 =	sld [smem:$0x3FDB];
	s0 =	simm.s32 @p2 $0x1  }
0x17: {  	s4 =	simm.s32 $0x1BF5;
	[smem:$0x3FAD] =	sst s0  }
0x18: {  	s0 =	sld [smem:$0x3F90];
	_ =	swait.ge [sflag:s4], $0x0  }
0x19: {  	s7 =	sld [smem:$0x3F91]  }
0x1a: {  	s8 =	sadd.s32 $0xFFFFE003, lr  }
0x1b: {  	s9 =	sadd.s32 $0xFFFFFEF7, lr;
	s5 =	simm.s32 $0xFFFFFFFF;
	p2 =	slt.u32 s8, $0xFFFFF086  }
0x1c: {  	p1 =	slt.u32 s9, $0xF7A;
	s5 =	simm.s32 @!p2 $0x0  }
0x1d: {  	s5 =	simm.s32 @p1 $0x1;
	p0 =	seq.s32 s7, s2  }
0x1e: {  	s7 =	smul.u32 @!p0 $0xF7A, s2;
	p2 =	seq.s32 @!p0 s5, $0x0  }
0x1f: {  	s9 =	smul.u32 $0xF7A, s1;
	s8 =	simm.s32 @!p0 $0x1BF5;
	p2 =	por !p2, p0  }
0x20: {  	[sflag:s8] =	ssyncset.s32 @!p0 $0xFFFFF086;
	s6 =	sadd.s32 @!p0 s3, s7;
	s7 =	simm.s32 @!p0 $0x108  }
0x21: {  	s3 =	sadd.s32 s3, s9;
	s6 =	sadd.s32 @!p0 $0x88, s6;
	s7 =	simm.s32 @p2 $0x1082  }
0x22: {  	[simem:s7], [sflag:s8] =	dma.local @!p0 [hbm:s6], $0xF7A  }
0x23: {  	s9 =	sor.u32 $0xD0000000, s2;
	s6 =	simm.s32 $0x108;
	_ =	swait.ge @!p0 [sflag:s8], $0x0  }
0x24: {  	s3 =	sadd.s32 $0x88, s3;
	s6 =	simm.s32 @!p1 $0x1082;
	[sflag:s4] =	ssyncset.s32 $0xFFFFF086  }
0x25: {  	[simem:s6], [sflag:s4] =	dma.local [hbm:s3], $0xF7A  }
0x26: {  	[smem:$0x3F91] =	sst s1;
	(tag) =	ssettag s2;
	_ =	strace s9  }
0x27: {  	s1 =	sld [smem:$0x3FA1]  }
0x28: {  	s2 =	sld [smem:$0x3FA2]  }
0x29: {  	s4 =	sld [smem:$0x3FA4]  }
0x2a: {  	p0 =	seq.s32 s5, $0x0;
	s5 =	sld [smem:$0x3FA5]  }
0x2b: {  	s6 =	sld [smem:$0x3FA6]  }
0x2c: {  	s7 =	sld [smem:$0x3FA7]  }
0x2d: {  	s3 =	simm.s32 $0x108;
	s8 =	sld [smem:$0x3FA8]  }
0x2e: {  	s3 =	simm.s32 @!p0 $0x1082;
	s9 =	sld [smem:$0x3FA9]  }
0x2f: {  	lr =	sadd.s32 s0, s3;
	s0 =	sld [smem:$0x3FA0]  }
0x30: {  	s3 =	sld [smem:$0x3FA3]  }
0x31: {  	[smem:$0x3FAC] =	sst s10  }
0x32: {  	s10 =	sld [smem:$0x3FAA];
	_ =	sdelay $0x3  }
0x33: {  	p0 =	seq.s32 s10, $0x1;
	s10 =	sld [smem:$0x3FAC];
	_ =	sdelay $0x3  }
0x34: {  	[smem:$0x3FAC] =	sst s10  }
0x35: {  	s10 =	sld [smem:$0x3FAB];
	_ =	sdelay $0x3  }
0x36: {  	p1 =	seq.s32 s10, $0x1;
	s10 =	sld [smem:$0x3FAC];
	_ =	sdelay $0x3  }
0x37: {  	[smem:$0x3FAC] =	sst s10  }
0x38: {  	s10 =	sld [smem:$0x3FAD]  }
0x39: {  	_ = 	snop;
	(pc) =	sbr.ind lr, $3  }
0x3a: {  	_ = 	snop  }
0x3b: {  	_ = 	snop  }
0x3c: {  	p2 =	seq.s32 s10, $0x1;
	s10 =	sld [smem:$0x3FAC]  }
0x3d: {  	_ =	shalt  }
0x3e: {  	_ =	shalt  }
0x3f: {  	_ =	shalt  }
0x40: {  	_ =	shalt  }
0x41: {  	_ =	shalt  }
0x42: {  	_ =	shalt  }
0x43: {  	_ =	shalt  }
0x44: {  	_ =	shalt  }
0x45: {  	_ =	shalt  }
0x46: {  	_ =	shalt  }
0x47: {  	_ =	shalt  }
0x48: {  	_ =	shalt  }
0x49: {  	_ =	shalt  }
0x4a: {  	_ =	shalt  }
0x4b: {  	_ =	shalt  }
0x4c: {  	_ =	shalt  }
0x4d: {  	_ =	shalt  }
0x4e: {  	_ =	shalt  }
0x4f: {  	_ =	shalt  }
0x50: {  	_ =	shalt  }
0x51: {  	_ =	shalt  }
0x52: {  	_ =	shalt  }
0x53: {  	_ =	shalt  }
0x54: {  	_ =	shalt  }
0x55: {  	_ =	shalt  }
0x56: {  	_ =	shalt  }
0x57: {  	_ =	shalt  }
0x58: {  	_ =	shalt  }
0x59: {  	_ =	shalt  }
0x5a: {  	_ =	shalt  }
0x5b: {  	_ =	shalt  }
0x5c: {  	_ =	shalt  }
0x5d: {  	_ =	shalt  }
0x5e: {  	_ =	shalt  }
0x5f: {  	_ =	shalt  }
0x60: {  	_ =	shalt  }
0x61: {  	_ =	shalt  }
0x62: {  	_ =	shalt  }
0x63: {  	_ =	shalt  }
0x64: {  	_ =	shalt  }
0x65: {  	_ =	shalt  }
0x66: {  	_ =	shalt  }
0x67: {  	_ =	shalt  }
0x68: {  	_ =	shalt  }
0x69: {  	_ =	shalt  }
0x6a: {  	_ =	shalt  }
0x6b: {  	_ =	shalt  }
0x6c: {  	_ =	shalt  }
0x6d: {  	_ =	shalt  }
0x6e: {  	_ =	shalt  }
0x6f: {  	_ =	shalt  }
0x70: {  	_ =	shalt  }
0x71: {  	_ =	shalt  }
0x72: {  	_ =	shalt  }
0x73: {  	_ =	shalt  }
0x74: {  	_ =	shalt  }
0x75: {  	_ =	shalt  }
0x76: {  	_ =	shalt  }
0x77: {  	_ =	shalt  }
0x78: {  	_ =	shalt  }
0x79: {  	_ =	shalt  }
0x7a: {  	_ =	shalt  }
0x7b: {  	_ =	shalt  }
0x7c: {  	_ =	shalt  }
0x7d: {  	_ =	shalt  }
0x7e: {  	_ =	shalt  }
0x7f: {  	_ =	shalt  }
0x80: {  	_ =	shalt  }
0x81: {  	_ =	shalt  }
0x82: {  	_ =	shalt  }
0x83: {  	_ =	shalt  }
0x84: {  	_ =	shalt  }
0x85: {  	_ =	shalt  }
0x86: {  	_ =	shalt  }
0x87: {  	_ =	shalt  }
.Lfunc_end0:
.L_simem_size_0:
called_computation.5_lowered:
.L_overlay_start_0:
0x88: {  	s0 =	sld [smem:$0x3FD9]  }
0x89: {  	s1 =	sld [smem:$0x3FFE];
	_ =	sdelay $0x3  }
0x8a: {  	s0 =	sadd.s32 s1, s0  }
0x8b: {  	[smem:$0x3FB8] =	sst s0  }
0x8c: {  	_ = 	snop  }
0x8d: {  	(tm) =	ssettm $0x1  }
0x8e: {  	s15 =	sld [smem:$0x3FFB];
	_ =	sdelay $0x3  }
0x8f: {  	_ =	strace s15  }
0x90: {  	s0 =	sld [smem:$0x3FFC];
	_ =	sdelay $0x3  }
0x91: {  	_ =	strace s0  }
0x92: {  	s0 =	sld [smem:$0x3FFD];
	_ =	sdelay $0x3  }
0x93: {  	_ =	strace s0  }
0x94: {  	_ =	strace $0x8FFFFFFF  }
0x95: {  	s16 =	sld [smem:$0x3FDB];
	_ =	sdelay $0x1  }
0x96: {  	s17 =	simm.s32 $_scs_section_size  }
0x97: {  	s2 =	simm.s32 $_size__tile_overlayer_lowered;
	s3 =	simm.s32 $_tile_overlayer_lowered  }
0x98: {  	s20 =	simm.s32 $0x1BFF;
	s19 =	sshll.u32 s3, $0x1;
	s0 =	sadd.s32 s17, s16  }
0x99: {  	s4 =	simm.s32 $0x0;
	s18 =	sshll.u32 s2, $0x1;
	s2 =	sadd.s32 s19, s0  }
0x9a: {  	[timem:s4], [sflag:s20] =	dma.local [hbm:s2], s18  }
0x9b: {  	_ =	swait.ge [sflag:s20], s18  }
0x9c: {  	s1 =	ssub.s32 $0x0, s18;
	[sflag:s20] =	ssyncset.done $0x0  }
0x9d: {  	[sflag:s20] =	ssyncadd.s32 s1;
	_ =	sdelay $0x1  }
0x9e: {  	s21 =	simm.s32 $0x1B8B  }
0x9f: {  	_ =	swait.ge [sflag:s21], $0x1  }
0xa0: {  	[sflag:s21] =	ssyncset.done $0x0  }
0xa1: {  	s23 =	simm.s32 $0x1B8E;
	s22 =	sld [smem:$0x3FFE];
	[sflag:s21] =	ssyncadd.s32 $0xFFFFFFFF  }
0xa2: {  	s24 =	simm.s32 $execute0_lowered;
	[smem:$0x3FD2] =	sst s23  }
0xa3: {  	s2 =	sshll.u32 s24, $0x1;
	_ =	strace $0x80000055;
	[dreg:$0x1] =	wrdreg $0xFFFFFFFF  }
0xa4: {  	s25 =	simm.s32 $_size_execute0_lowered;
	s0 =	sadd.s32 s0, s2;
	[dreg:$0x0] =	wrdreg $0x0  }
0xa5: {  	s2 =	sshll.u32 s25, $0x1;
	[dreg:$0x2] =	wrdreg s0  }
0xa6: {  	[dreg:$0x3] =	wrdreg s2  }
0xa7: {  	[dreg:$0x4] =	wrdreg $0xC0  }
0xa8: {  	_ =	task [dreg:s4], $0x5FFFF  }
0xa9: {  	[dreg:$0x1] =	wrdreg $0xFFFFFFFF  }
0xaa: {  	[dreg:$0x0] =	wrdreg $0x60  }
0xab: {  	[dreg:$0x2] =	wrdreg s22  }
0xac: {  	[dreg:$0x3] =	wrdreg $0x9  }
0xad: {  	_ =	task.clear_ibuf [dreg:s4], $0x4FFFF;
	_ =	strace $0x90000055  }
0xae: {  	s26 =	simm.s32 $0x9;
	_ =	strace $0x80000057  }
0xaf: {  	_ =	swait.ge [sflag:s26], $0x1  }
0xb0: {  	[sflag:s26] =	ssyncadd.s32 $0xFFFFFFFF  }
0xb1: {  	_ =	strace $0x90000057  }
0xb2: {  	_ =	sfence  }
0xb3: {  	s28 =	sld [smem:$0x0];
	_ =	sdelay $0x1  }
0xb4: {  	s29 =	srdreg.scid  }
0xb5: {  	s30 =	sshll.u32 s29, $0xD;
	s31 =	sshrl.u32 s29, $0x2  }
0xb6: {  	s1 =	sand.u32 $0x1, s29;
	s2 =	sand.u32 $0x4000, s30;
	s0 =	sadd.s32 s31, s28  }
0xb7: {  	s1 =	sor.u32 s2, s1;
	s0 =	sshll.u32 s0, $0x11  }
0xb8: {  	s0 =	sor.u32 s0, s1  }
0xb9: {  	s0 =	sadd.s32 $0x8F2B, s0  }
0xba: {  	[sflag:s0] =	ssyncadd.remote.s32 $0x1  }
0xbb: {  	_ =	sfence.sel $0xFFFF  }
0xbc: {  	[dreg:$0x0] =	wrdreg $0xFFFFFFFF;
	(pc) =	sbr.abs _section_cstart, $3  }
0xbd: {  	[dreg:$0x1] =	wrdreg $0xFFFFFFFF  }
0xbe: {  	_ =	task.clear_ibuf [dreg:s4], $0x2FFFF;
	_ =	strace $0x9FFFFFFF  }
0xbf: {  	(tm) =	ssettm $0x7FFFFFFF  }
tec
execute0_lowered:
.L_overlay_start_1:
0x0: {  	(tag) =	ssettag $0x1  }
0x1: {  	s0 =	stileid.u32  }
0x2: {  	s1 =	smin.u32 s0, $0x9  }
0x3: {  	s1 =	sadd.s32 s0, s1  }
0x4: {  	s2 =	simm.s32 $0x320;
	p0 =	slt.u32 s0, $0x9;
	s1 =	smul.u32 $0x190, s1  }
0x5: {  	s2 =	simm.s32 @!p0 $0x190  }
0x6: {  	s2 =	sadd.s32 s2, s1  }
0x7: {  	s3 =	smin.u32 s2, $0x2710  }
0x8: {  	s7 =	ssub.s32 s3, s1  }
0x9: {  	p0 =	sgt.s32 s7, $0x0  }
0xa: {  	s7 =	simm.s32 @!p0 $0x0  }
0xb: {  	s31 =	sand.u32 $0xFFF0, s7  }
0xc: {  	s2 =	sshrl.u32 s31, $0x4  }
0xd: {  	s2 =	smul.u32 $0xA3E, s2  }
0xe: {  	s4 =	rddreg [dreg:$0x0];
	s6 =	simm.s32 $0x1  }
0xf: {  	s10 =	simm.s32 $0x3;
	s13 =	simm.s32 $0x0;
	s8 =	sshrl.u32 s2, $0x10  }
0x10: {  	s12 =	simm.s32 $0x0;
	s5 =	sadd.s32 $0x27200, s4;
	s9 =	smul.u32 $0x190, s8  }
.Ltmp0:
0x11: {  	s11 =	smov.u32 s1;
	s2 =	rddreg [dreg:$0x1];
	(pc) =	sbr.rel .LBB2_1-.Ltmp0, $4  }
0x12: {  	_ =	strace $0x80000056;
	p0 =	sne.s32 s7, s9;
	s9 =	simm.s32 $0x1  }
0x13: {  	[sflag:s6] =	ssyncpa.u1 $0x0;
	s7 =	simm.s32 $0x2;
	s9 =	simm.s32 @!p0 $0x0  }
0x14: {  	[sflag:s7] =	ssyncpa.u1 $0x0;
	p0 =	por $0x0, $0x0;
	s8 =	sadd.s32 s8, s9  }
0x15: {  	vm0 =	vmmov $0xff;
	vm1 =	vcmask $0x3F20;
	s9 =	sadd.s32 $0x4F200, s4;
	[sflag:s10] =	ssyncpa.u1 $0x0;
	s10 =	sadd.s32 $0x1, s8  }
.LBB2_6:
0x16: {  	[hbm:s17] =	stream.linear.scatter [tilespmem:s14], [sflag:$0x3], $0x400, $0x38;
	[tilespmem:$0x19320] =	vst v63  }
.LBB2_7:
0x17: {  	s13 =	sadd.s32 $0x190, s11  }
0x18: {  	s15 =	smov.u32 s1;
	p2 =	slt.s32 s13, s3  }
0x19: {  	s15 =	smov.u32 @p2 s13;
	p2 =	sne.s32 s12, s10  }
.Ltmp1:
0x1a: {  	p1 =	slt.u32 s12, $0x2;
	(pc) =	sbr.rel @!p2 .LBB2_8-.Ltmp1, $4  }
0x1b: {  	s14 =	simm.s32 @!p1 $0x3  }
0x1c: {  	s16 =	sadd.s32 $0x1, s12;
	_ =	swait.ge @!p1 [sflag:s14], $0xC800  }
0x1d: {  	p0 =	por !p0, !p0;
	s13 =	smov.u32 s11;
	[sflag:s14] =	ssyncset.done @!p1 $0x0  }
0x1e: {  	s12 =	smov.u32 s16;
	s11 =	smov.u32 s15;
	[sflag:s14] =	ssyncadd.s32 @!p1 $0xFFFF3800  }
.LBB2_1:
0x1f: {  	p1 =	sge.u32 s12, s8  }
0x20: {  	s14 =	sxor.u32 @!p1 $0xFFFFFFFF, s12  }
0x21: {  	s14 =	sand.u32 @!p1 $0x1, s14  }
0x22: {  	s14 =	smul.u32 @!p1 $0x640, s14  }
0x23: {  	s31 =	sadd.s32 $0xFFFFFFFF, s12;
	s15 =	sshrl.u32 @!p1 s11, $0x3  }
0x24: {  	s16 =	sand.u32 @!p1 $0x7, s11;
	s15 =	sadd.s32 @!p1 s4, s15;
	s14 =	sshrl.u32 @!p1 s14, $0x2  }
0x25: {  	[tilespmem:s14], [sflag:$0x2] =	stream.linear.gather @!p1 [hbm4b:s15+s16], $0x190, $0x38;
	[tilespmem:$0x19320] =	vst v63  }
0x26: {  	p1 =	sge.u32 s31, s8  }
.Ltmp2:
0x27: {  	_ = 	snop;
	(pc) =	sbr.rel @p1 .LBB2_7-.Ltmp2, $1  }
0x28: {  	_ =	sdelay $0x3  }
0x29: {  	s14 =	simm.s32 $0x1  }
0x2a: {  	s14 =	simm.s32 @!p0 $0x0  }
0x2b: {  	s15 =	smul.u32 $0x640, s14  }
0x2c: {  	_ =	swait.ge [sflag:s7], $0x190  }
0x2d: {  	[sflag:s7] =	ssyncset.done $0x0;
	s16 =	sshrl.u32 s15, $0x2  }
0x2e: {  	[sflag:s7] =	ssyncadd.s32 $0xFFFFFE70;
	s15 =	sadd.s32 $0x0, s16  }
0x2f: {  	v0 =	vld.msk [tilespmem:s15+$0x0 ss:$0x1], $0xffff;
	_ =	sdelay $0x4  }
0x30: {  	vm2 =	vgt.s32 v0, $0x0  }
0x31: {  	v0 =	vnsel vm2, $0x0, v0  }
0x32: {  	v0 =	vmin.u32 v0, $0x27FF  }
0x33: {  	v0 =	vshll.u32 v0, $0x4  }
0x34: {  	s14 =	smul.u32 $0x32000, s14;
	_ =	sdelay $0x1  }
0x35: {  	s14 =	sshrl.u32 s14, $0x2  }
0x36: {  	s14 =	sor.u32 $0x320, s14  }
0x37: {  	[tilespmem:s14], [sflag:$0x1] =	stream.indirect_vreg.gather [hbm:s5], $0x80, v0, vm0, $0x38;
	[tilespmem:$0x19320] =	vst v63  }
0x38: {  	s17 =	sadd.s32 $0x10, s16;
	s15 =	sadd.s32 $0x400, s14  }
0x39: {  	[tilespmem:s15], [sflag:$0x1] =	stream.indirect_vreg.gather [hbm:s5], $0x80, v0, vm1, $0x38;
	[tilespmem:$0x19320] =	vst v63  }
0x3a: {  	s18 =	simm.s32 $0x80;
	v0 =	vld.msk [tilespmem:s17+$0x0 ss:$0x1], $0xffff;
	s17 =	smov.u32 s14  }
.LBB2_3:
0x3b: {  	p1 =	sne.s32 s18, $0x600;
	_ =	sdelay $0x4  }
0x3c: {  	vm2 =	vgt.s32 v0, $0x0  }
0x3d: {  	v0 =	vnsel vm2, $0x0, v0  }
0x3e: {  	v0 =	vmin.u32 v0, $0x27FF  }
0x3f: {  	v0 =	vshll.u32 v0, $0x4;
	_ =	sdelay $0x3  }
.Ltmp3:
0x40: {  	s19 =	sshra.s32 s18, $0x2;
	s17 =	sadd.s32 $0x800, s17;
	(pc) =	sbr.rel @p1 .LBB2_3-.Ltmp3, $4  }
0x41: {  	[tilespmem:s17], [sflag:$0x1] =	stream.indirect_vreg.gather [hbm:s5], $0x80, v0, vm0, $0x38;
	[tilespmem:$0x19320] =	vst v63  }
0x42: {  	s19 =	sadd.s32 s19, s16;
	s20 =	sadd.s32 $0x400, s17  }
0x43: {  	[tilespmem:s20], [sflag:$0x1] =	stream.indirect_vreg.gather [hbm:s5], $0x80, v0, vm1, $0x38;
	[tilespmem:$0x19320] =	vst v63  }
0x44: {  	s18 =	sadd.s32 $0x40, s18;
	v0 =	vld.msk [tilespmem:s19+$0x0 ss:$0x1], $0xffff  }
0x45: {  	_ =	sdelay $0x3  }
0x46: {  	vm2 =	vgt.s32 v0, $0x0  }
0x47: {  	v0 =	vnsel vm2, $0x0, v0  }
0x48: {  	v0 =	vmin.u32 v0, $0x27FF  }
0x49: {  	v0 =	vshll.u32 v0, $0x4;
	_ =	sdelay $0x3  }
0x4a: {  	s16 =	sadd.s32 $0x800, s17  }
0x4b: {  	[tilespmem:s16], [sflag:$0x1] =	stream.indirect_vreg.gather [hbm:s5], $0x80, v0, vm0, $0x38;
	[tilespmem:$0x19320] =	vst v63  }
0x4c: {  	s16 =	sadd.s32 $0x400, s16  }
0x4d: {  	[tilespmem:s16], [sflag:$0x1] =	stream.indirect_vreg.gather [hbm:s5], $0x80, v0, vm1, $0x38;
	[tilespmem:$0x19320] =	vst v63  }
0x4e: {  	s13 =	sshll.u32 s13, $0x4;
	_ =	swait.ge [sflag:s6], $0xC800  }
0x4f: {  	s13 =	sadd.s32 s13, s9;
	[sflag:s6] =	ssyncset.done $0x0  }
0x50: {  	s17 =	sadd.s32 $0x0, s13;
	s16 =	simm.s32 $0x80;
	[sflag:s6] =	ssyncadd.s32 $0xFFFF3800  }
.LBB2_5:
0x51: {  	[hbm:s17] =	stream.linear.scatter [tilespmem:s14], [sflag:$0x3], $0x400, $0x38;
	[tilespmem:$0x19320] =	vst v63  }
0x52: {  	s17 =	smov.u32 s16;
	s14 =	smov.u32 s15;
	p1 =	sne.s32 s16, $0x1880  }
.Ltmp4:
0x53: {  	s16 =	sadd.s32 $0x80, s16;
	(pc) =	sbr.rel @p1 .LBB2_5-.Ltmp4, $2  }
0x54: {  	_ =	sdelay $0x2  }
0x55: {  	s15 =	sadd.s32 $0x400, s15;
	s17 =	sadd.s32 s17, s13  }
.Ltmp5:
0x56: {  	_ = 	snop;
	(pc) =	sbr.rel .LBB2_6-.Ltmp5, $1  }
0x57: {  	_ =	sdelay $0x3  }
.LBB2_8:
0x58: {  	_ =	sfence.sel $0x180000  }
0x59: {  	s1 =	simm.s32 $0x2;
	[bflag:$0x0] =	sbarrier.arrive $0xFFFF  }
0x5a: {  	s30 =	simm.s32 $0x3;
	[sflag:s1] =	ssyncpa.u1 $0x1  }
0x5b: {  	s31 =	simm.s32 $0x1;
	[sflag:s30] =	ssyncpa.u1 $0x1  }
0x5c: {  	[sflag:s31] =	ssyncpa.u1 $0x1  }
0x5d: {  	p0 =	sne.s32 s0, $0x0;
	_ =	strace $0x90000056  }
0x5e: {  	s0 =	sadd.s32 @!p0 $0x100000, s2;
	[bflag:$0x2] =	sbarrier.arrive $0xFFFF  }
0x5f: {  	[sflag:s0] =	ssyncadd.tile.s32 @!p0 $0x1;
	_ =	shalt  }
.Lfunc_end2:
_tile_overlayer_lowered:
.L_overlay_start_2:
0x60: {  	(tag) =	ssettag $0x2  }
0x61: {  	s0 =	rddreg [dreg:$0x0];
	s2 =	stileid.u32  }
0x62: {  	s1 =	rddreg [dreg:$0x1];
	p0 =	sne.s32 s2, $0x0  }
0x63: {  	s3 =	rddreg [dreg:$0x2];
	[bflag:$0x3] =	sbarrier.arrive $0xFFFF;
	s2 =	simm.s32 @!p0 $0x1C01  }
0x64: {  	[timem:s3], [sflag:s2] =	dma.local @!p0 [hbm:s0], s1  }
0x65: {  	s0 =	simm.s32 @!p0 $0x1  }
0x66: {  	_ =	swait.ge @!p0 [sflag:s0], s1  }
0x67: {  	s1 =	ssub.s32 @!p0 $0x0, s1;
	[sflag:s0] =	ssyncset.done @!p0 $0x0  }
0x68: {  	[sflag:s0] =	ssyncadd.s32 @!p0 s1  }
0x69: {  	[bflag:$0x3] =	sbarrier.arrive $0xFFFF  }
0x6a: {  	_ =	shalt  }

// kernel: gather_offload_async_start.4
scs
__scs_entry_jumppad:
0x0: {  	(pc) =	sbr.rel $0x88, $3  }
0x1: {  	(tag) =	ssettag $0x0;
	lr =	simm.s32 $0x1  }
0x2: {  	[smem:$0x3F91] =	sst lr;
	_ =	strace $0xD0000000  }
0x3: {  	_ = 	snop  }
0x4: {  	_ = 	snop  }
0x5: {  	_ = 	snop  }
0x6: {  	_ = 	snop  }
0x7: {  	_ = 	snop  }
__scs_overlays_trampoline_lowered:
0x8: {  	[smem:$0x3FA0] =	sst s0  }
0x9: {  	[smem:$0x3FA1] =	sst s1  }
0xa: {  	[smem:$0x3FA2] =	sst s2  }
0xb: {  	[smem:$0x3FA3] =	sst s3  }
0xc: {  	[smem:$0x3FA4] =	sst s4  }
0xd: {  	[smem:$0x3FA5] =	sst s5  }
0xe: {  	[smem:$0x3FA6] =	sst s6  }
0xf: {  	[smem:$0x3FA7] =	sst s7  }
0x10: {  	[smem:$0x3FA8] =	sst s8  }
0x11: {  	[smem:$0x3FA9] =	sst s9;
	s0 =	simm.s32 @!p0 $0x0  }
0x12: {  	s1 =	sld [smem:$0x3F8F];
	s0 =	simm.s32 @p0 $0x1  }
0x13: {  	[smem:$0x3FAA] =	sst s0;
	s0 =	simm.s32 @!p1 $0x0  }
0x14: {  	s2 =	sld [smem:$0x3F8E];
	s0 =	simm.s32 @p1 $0x1  }
0x15: {  	[smem:$0x3FAB] =	sst s0;
	s0 =	simm.s32 @!p2 $0x0  }
0x16: {  	s3 =	sld [smem:$0x3FDB];
	s0 =	simm.s32 @p2 $0x1  }
0x17: {  	s4 =	simm.s32 $0x1BF5;
	[smem:$0x3FAD] =	sst s0  }
0x18: {  	s0 =	sld [smem:$0x3F90];
	_ =	swait.ge [sflag:s4], $0x0  }
0x19: {  	s7 =	sld [smem:$0x3F91]  }
0x1a: {  	s8 =	sadd.s32 $0xFFFFE003, lr  }
0x1b: {  	s9 =	sadd.s32 $0xFFFFFEF7, lr;
	s5 =	simm.s32 $0xFFFFFFFF;
	p2 =	slt.u32 s8, $0xFFFFF086  }
0x1c: {  	p1 =	slt.u32 s9, $0xF7A;
	s5 =	simm.s32 @!p2 $0x0  }
0x1d: {  	s5 =	simm.s32 @p1 $0x1;
	p0 =	seq.s32 s7, s2  }
0x1e: {  	s7 =	smul.u32 @!p0 $0xF7A, s2;
	p2 =	seq.s32 @!p0 s5, $0x0  }
0x1f: {  	s9 =	smul.u32 $0xF7A, s1;
	s8 =	simm.s32 @!p0 $0x1BF5;
	p2 =	por !p2, p0  }
0x20: {  	[sflag:s8] =	ssyncset.s32 @!p0 $0xFFFFF086;
	s6 =	sadd.s32 @!p0 s3, s7;
	s7 =	simm.s32 @!p0 $0x108  }
0x21: {  	s3 =	sadd.s32 s3, s9;
	s6 =	sadd.s32 @!p0 $0x88, s6;
	s7 =	simm.s32 @p2 $0x1082  }
0x22: {  	[simem:s7], [sflag:s8] =	dma.local @!p0 [hbm:s6], $0xF7A  }
0x23: {  	s9 =	sor.u32 $0xD0000000, s2;
	s6 =	simm.s32 $0x108;
	_ =	swait.ge @!p0 [sflag:s8], $0x0  }
0x24: {  	s3 =	sadd.s32 $0x88, s3;
	s6 =	simm.s32 @!p1 $0x1082;
	[sflag:s4] =	ssyncset.s32 $0xFFFFF086  }
0x25: {  	[simem:s6], [sflag:s4] =	dma.local [hbm:s3], $0xF7A  }
0x26: {  	[smem:$0x3F91] =	sst s1;
	(tag) =	ssettag s2;
	_ =	strace s9  }
0x27: {  	s1 =	sld [smem:$0x3FA1]  }
0x28: {  	s2 =	sld [smem:$0x3FA2]  }
0x29: {  	s4 =	sld [smem:$0x3FA4]  }
0x2a: {  	p0 =	seq.s32 s5, $0x0;
	s5 =	sld [smem:$0x3FA5]  }
0x2b: {  	s6 =	sld [smem:$0x3FA6]  }
0x2c: {  	s7 =	sld [smem:$0x3FA7]  }
0x2d: {  	s3 =	simm.s32 $0x108;
	s8 =	sld [smem:$0x3FA8]  }
0x2e: {  	s3 =	simm.s32 @!p0 $0x1082;
	s9 =	sld [smem:$0x3FA9]  }
0x2f: {  	lr =	sadd.s32 s0, s3;
	s0 =	sld [smem:$0x3FA0]  }
0x30: {  	s3 =	sld [smem:$0x3FA3]  }
0x31: {  	[smem:$0x3FAC] =	sst s10  }
0x32: {  	s10 =	sld [smem:$0x3FAA];
	_ =	sdelay $0x3  }
0x33: {  	p0 =	seq.s32 s10, $0x1;
	s10 =	sld [smem:$0x3FAC];
	_ =	sdelay $0x3  }
0x34: {  	[smem:$0x3FAC] =	sst s10  }
0x35: {  	s10 =	sld [smem:$0x3FAB];
	_ =	sdelay $0x3  }
0x36: {  	p1 =	seq.s32 s10, $0x1;
	s10 =	sld [smem:$0x3FAC];
	_ =	sdelay $0x3  }
0x37: {  	[smem:$0x3FAC] =	sst s10  }
0x38: {  	s10 =	sld [smem:$0x3FAD]  }
0x39: {  	_ = 	snop;
	(pc) =	sbr.ind lr, $3  }
0x3a: {  	_ = 	snop  }
0x3b: {  	_ = 	snop  }
0x3c: {  	p2 =	seq.s32 s10, $0x1;
	s10 =	sld [smem:$0x3FAC]  }
0x3d: {  	_ =	shalt  }
0x3e: {  	_ =	shalt  }
0x3f: {  	_ =	shalt  }
0x40: {  	_ =	shalt  }
0x41: {  	_ =	shalt  }
0x42: {  	_ =	shalt  }
0x43: {  	_ =	shalt  }
0x44: {  	_ =	shalt  }
0x45: {  	_ =	shalt  }
0x46: {  	_ =	shalt  }
0x47: {  	_ =	shalt  }
0x48: {  	_ =	shalt  }
0x49: {  	_ =	shalt  }
0x4a: {  	_ =	shalt  }
0x4b: {  	_ =	shalt  }
0x4c: {  	_ =	shalt  }
0x4d: {  	_ =	shalt  }
0x4e: {  	_ =	shalt  }
0x4f: {  	_ =	shalt  }
0x50: {  	_ =	shalt  }
0x51: {  	_ =	shalt  }
0x52: {  	_ =	shalt  }
0x53: {  	_ =	shalt  }
0x54: {  	_ =	shalt  }
0x55: {  	_ =	shalt  }
0x56: {  	_ =	shalt  }
0x57: {  	_ =	shalt  }
0x58: {  	_ =	shalt  }
0x59: {  	_ =	shalt  }
0x5a: {  	_ =	shalt  }
0x5b: {  	_ =	shalt  }
0x5c: {  	_ =	shalt  }
0x5d: {  	_ =	shalt  }
0x5e: {  	_ =	shalt  }
0x5f: {  	_ =	shalt  }
0x60: {  	_ =	shalt  }
0x61: {  	_ =	shalt  }
0x62: {  	_ =	shalt  }
0x63: {  	_ =	shalt  }
0x64: {  	_ =	shalt  }
0x65: {  	_ =	shalt  }
0x66: {  	_ =	shalt  }
0x67: {  	_ =	shalt  }
0x68: {  	_ =	shalt  }
0x69: {  	_ =	shalt  }
0x6a: {  	_ =	shalt  }
0x6b: {  	_ =	shalt  }
0x6c: {  	_ =	shalt  }
0x6d: {  	_ =	shalt  }
0x6e: {  	_ =	shalt  }
0x6f: {  	_ =	shalt  }
0x70: {  	_ =	shalt  }
0x71: {  	_ =	shalt  }
0x72: {  	_ =	shalt  }
0x73: {  	_ =	shalt  }
0x74: {  	_ =	shalt  }
0x75: {  	_ =	shalt  }
0x76: {  	_ =	shalt  }
0x77: {  	_ =	shalt  }
0x78: {  	_ =	shalt  }
0x79: {  	_ =	shalt  }
0x7a: {  	_ =	shalt  }
0x7b: {  	_ =	shalt  }
0x7c: {  	_ =	shalt  }
0x7d: {  	_ =	shalt  }
0x7e: {  	_ =	shalt  }
0x7f: {  	_ =	shalt  }
0x80: {  	_ =	shalt  }
0x81: {  	_ =	shalt  }
0x82: {  	_ =	shalt  }
0x83: {  	_ =	shalt  }
0x84: {  	_ =	shalt  }
0x85: {  	_ =	shalt  }
0x86: {  	_ =	shalt  }
0x87: {  	_ =	shalt  }
.Lfunc_end0:
.L_simem_size_0:
called_computation.6_lowered:
.L_overlay_start_0:
0x88: {  	s0 =	sld [smem:$0x3FD9]  }
0x89: {  	s1 =	sld [smem:$0x3FFE];
	_ =	sdelay $0x3  }
0x8a: {  	s0 =	sadd.s32 s1, s0  }
0x8b: {  	[smem:$0x3FB8] =	sst s0  }
0x8c: {  	_ = 	snop  }
0x8d: {  	(tm) =	ssettm $0x1  }
0x8e: {  	s15 =	sld [smem:$0x3FFB];
	_ =	sdelay $0x3  }
0x8f: {  	_ =	strace s15  }
0x90: {  	s0 =	sld [smem:$0x3FFC];
	_ =	sdelay $0x3  }
0x91: {  	_ =	strace s0  }
0x92: {  	s0 =	sld [smem:$0x3FFD];
	_ =	sdelay $0x3  }
0x93: {  	_ =	strace s0  }
0x94: {  	_ =	strace $0x8FFFFFFF  }
0x95: {  	s16 =	sld [smem:$0x3FDB];
	_ =	sdelay $0x1  }
0x96: {  	s17 =	simm.s32 $_scs_section_size  }
0x97: {  	s2 =	simm.s32 $_size__tile_overlayer_lowered;
	s3 =	simm.s32 $_tile_overlayer_lowered  }
0x98: {  	s20 =	simm.s32 $0x1BFF;
	s19 =	sshll.u32 s3, $0x1;
	s0 =	sadd.s32 s17, s16  }
0x99: {  	s4 =	simm.s32 $0x0;
	s18 =	sshll.u32 s2, $0x1;
	s2 =	sadd.s32 s19, s0  }
0x9a: {  	[timem:s4], [sflag:s20] =	dma.local [hbm:s2], s18  }
0x9b: {  	_ =	swait.ge [sflag:s20], s18  }
0x9c: {  	s1 =	ssub.s32 $0x0, s18;
	[sflag:s20] =	ssyncset.done $0x0  }
0x9d: {  	[sflag:s20] =	ssyncadd.s32 s1;
	_ =	sdelay $0x1  }
0x9e: {  	s21 =	simm.s32 $0x1B8B  }
0x9f: {  	_ =	swait.ge [sflag:s21], $0x1  }
0xa0: {  	[sflag:s21] =	ssyncset.done $0x0  }
0xa1: {  	s23 =	simm.s32 $0x1B8E;
	s22 =	sld [smem:$0x3FFE];
	[sflag:s21] =	ssyncadd.s32 $0xFFFFFFFF  }
0xa2: {  	s24 =	simm.s32 $execute0_lowered;
	[smem:$0x3FD2] =	sst s23  }
0xa3: {  	s2 =	sshll.u32 s24, $0x1;
	_ =	strace $0x80000058;
	[dreg:$0x1] =	wrdreg $0xFFFFFFFF  }
0xa4: {  	s25 =	simm.s32 $_size_execute0_lowered;
	s0 =	sadd.s32 s0, s2;
	[dreg:$0x0] =	wrdreg $0x0  }
0xa5: {  	s2 =	sshll.u32 s25, $0x1;
	[dreg:$0x2] =	wrdreg s0  }
0xa6: {  	[dreg:$0x3] =	wrdreg s2  }
0xa7: {  	[dreg:$0x4] =	wrdreg $0xC0  }
0xa8: {  	_ =	task [dreg:s4], $0x5FFFF  }
0xa9: {  	[dreg:$0x1] =	wrdreg $0xFFFFFFFF  }
0xaa: {  	[dreg:$0x0] =	wrdreg $0x60  }
0xab: {  	[dreg:$0x2] =	wrdreg s22  }
0xac: {  	[dreg:$0x3] =	wrdreg $0x9  }
0xad: {  	_ =	task.clear_ibuf [dreg:s4], $0x4FFFF;
	_ =	strace $0x90000058  }
0xae: {  	s26 =	simm.s32 $0x9;
	_ =	strace $0x8000005A  }
0xaf: {  	_ =	swait.ge [sflag:s26], $0x1  }
0xb0: {  	[sflag:s26] =	ssyncadd.s32 $0xFFFFFFFF  }
0xb1: {  	_ =	strace $0x9000005A  }
0xb2: {  	_ =	sfence  }
0xb3: {  	s28 =	sld [smem:$0x0];
	_ =	sdelay $0x1  }
0xb4: {  	s29 =	srdreg.scid  }
0xb5: {  	s30 =	sshll.u32 s29, $0xD;
	s31 =	sshrl.u32 s29, $0x2  }
0xb6: {  	s1 =	sand.u32 $0x1, s29;
	s2 =	sand.u32 $0x4000, s30;
	s0 =	sadd.s32 s31, s28  }
0xb7: {  	s1 =	sor.u32 s2, s1;
	s0 =	sshll.u32 s0, $0x11  }
0xb8: {  	s0 =	sor.u32 s0, s1  }
0xb9: {  	s0 =	sadd.s32 $0x8F2B, s0  }
0xba: {  	[sflag:s0] =	ssyncadd.remote.s32 $0x1  }
0xbb: {  	_ =	sfence.sel $0xFFFF  }
0xbc: {  	[dreg:$0x0] =	wrdreg $0xFFFFFFFF;
	(pc) =	sbr.abs _section_cstart, $3  }
0xbd: {  	[dreg:$0x1] =	wrdreg $0xFFFFFFFF  }
0xbe: {  	_ =	task.clear_ibuf [dreg:s4], $0x2FFFF;
	_ =	strace $0x9FFFFFFF  }
0xbf: {  	(tm) =	ssettm $0x7FFFFFFF  }
tec
execute0_lowered:
.L_overlay_start_1:
0x0: {  	(tag) =	ssettag $0x1  }
0x1: {  	s0 =	stileid.u32  }
0x2: {  	s1 =	smin.u32 s0, $0x9  }
0x3: {  	s1 =	sadd.s32 s0, s1  }
0x4: {  	s2 =	simm.s32 $0x320;
	p0 =	slt.u32 s0, $0x9;
	s1 =	smul.u32 $0x190, s1  }
0x5: {  	s2 =	simm.s32 @!p0 $0x190  }
0x6: {  	s2 =	sadd.s32 s2, s1  }
0x7: {  	s3 =	smin.u32 s2, $0x2710  }
0x8: {  	s7 =	ssub.s32 s3, s1  }
0x9: {  	p0 =	sgt.s32 s7, $0x0  }
0xa: {  	s7 =	simm.s32 @!p0 $0x0  }
0xb: {  	s31 =	sand.u32 $0xFFF0, s7  }
0xc: {  	s2 =	sshrl.u32 s31, $0x4  }
0xd: {  	s2 =	smul.u32 $0xA3E, s2  }
0xe: {  	s4 =	rddreg [dreg:$0x0];
	s6 =	simm.s32 $0x1  }
0xf: {  	s10 =	simm.s32 $0x3;
	s13 =	simm.s32 $0x0;
	s8 =	sshrl.u32 s2, $0x10  }
0x10: {  	s12 =	simm.s32 $0x0;
	s5 =	sadd.s32 $0x4E400, s4;
	s9 =	smul.u32 $0x190, s8  }
.Ltmp0:
0x11: {  	s11 =	smov.u32 s1;
	s2 =	rddreg [dreg:$0x1];
	(pc) =	sbr.rel .LBB2_1-.Ltmp0, $4  }
0x12: {  	_ =	strace $0x80000059;
	p0 =	sne.s32 s7, s9;
	s9 =	simm.s32 $0x1  }
0x13: {  	[sflag:s6] =	ssyncpa.u1 $0x0;
	s7 =	simm.s32 $0x2;
	s9 =	simm.s32 @!p0 $0x0  }
0x14: {  	[sflag:s7] =	ssyncpa.u1 $0x0;
	p0 =	por $0x0, $0x0;
	s8 =	sadd.s32 s8, s9  }
0x15: {  	vm0 =	vmmov $0xff;
	vm1 =	vcmask $0x3F20;
	s9 =	sadd.s32 $0x76400, s4;
	[sflag:s10] =	ssyncpa.u1 $0x0;
	s10 =	sadd.s32 $0x1, s8  }
.LBB2_6:
0x16: {  	[hbm:s17] =	stream.linear.scatter [tilespmem:s14], [sflag:$0x3], $0x400, $0x38;
	[tilespmem:$0x19320] =	vst v63  }
.LBB2_7:
0x17: {  	s13 =	sadd.s32 $0x190, s11  }
0x18: {  	s15 =	smov.u32 s1;
	p2 =	slt.s32 s13, s3  }
0x19: {  	s15 =	smov.u32 @p2 s13;
	p2 =	sne.s32 s12, s10  }
.Ltmp1:
0x1a: {  	p1 =	slt.u32 s12, $0x2;
	(pc) =	sbr.rel @!p2 .LBB2_8-.Ltmp1, $4  }
0x1b: {  	s14 =	simm.s32 @!p1 $0x3  }
0x1c: {  	s16 =	sadd.s32 $0x1, s12;
	_ =	swait.ge @!p1 [sflag:s14], $0xC800  }
0x1d: {  	p0 =	por !p0, !p0;
	s13 =	smov.u32 s11;
	[sflag:s14] =	ssyncset.done @!p1 $0x0  }
0x1e: {  	s12 =	smov.u32 s16;
	s11 =	smov.u32 s15;
	[sflag:s14] =	ssyncadd.s32 @!p1 $0xFFFF3800  }
.LBB2_1:
0x1f: {  	p1 =	sge.u32 s12, s8  }
0x20: {  	s14 =	sxor.u32 @!p1 $0xFFFFFFFF, s12  }
0x21: {  	s14 =	sand.u32 @!p1 $0x1, s14  }
0x22: {  	s14 =	smul.u32 @!p1 $0x640, s14  }
0x23: {  	s31 =	sadd.s32 $0xFFFFFFFF, s12;
	s15 =	sshrl.u32 @!p1 s11, $0x3  }
0x24: {  	s16 =	sand.u32 @!p1 $0x7, s11;
	s15 =	sadd.s32 @!p1 s4, s15;
	s14 =	sshrl.u32 @!p1 s14, $0x2  }
0x25: {  	[tilespmem:s14], [sflag:$0x2] =	stream.linear.gather @!p1 [hbm4b:s15+s16], $0x190, $0x38;
	[tilespmem:$0x19320] =	vst v63  }
0x26: {  	p1 =	sge.u32 s31, s8  }
.Ltmp2:
0x27: {  	_ = 	snop;
	(pc) =	sbr.rel @p1 .LBB2_7-.Ltmp2, $1  }
0x28: {  	_ =	sdelay $0x3  }
0x29: {  	s14 =	simm.s32 $0x1  }
0x2a: {  	s14 =	simm.s32 @!p0 $0x0  }
0x2b: {  	s15 =	smul.u32 $0x640, s14  }
0x2c: {  	_ =	swait.ge [sflag:s7], $0x190  }
0x2d: {  	[sflag:s7] =	ssyncset.done $0x0;
	s16 =	sshrl.u32 s15, $0x2  }
0x2e: {  	[sflag:s7] =	ssyncadd.s32 $0xFFFFFE70;
	s15 =	sadd.s32 $0x0, s16  }
0x2f: {  	v0 =	vld.msk [tilespmem:s15+$0x0 ss:$0x1], $0xffff;
	_ =	sdelay $0x4  }
0x30: {  	vm2 =	vgt.s32 v0, $0x0  }
0x31: {  	v0 =	vnsel vm2, $0x0, v0  }
0x32: {  	v0 =	vmin.u32 v0, $0x27FF  }
0x33: {  	v0 =	vshll.u32 v0, $0x4  }
0x34: {  	s14 =	smul.u32 $0x32000, s14;
	_ =	sdelay $0x1  }
0x35: {  	s14 =	sshrl.u32 s14, $0x2  }
0x36: {  	s14 =	sor.u32 $0x320, s14  }
0x37: {  	[tilespmem:s14], [sflag:$0x1] =	stream.indirect_vreg.gather [hbm:s5], $0x80, v0, vm0, $0x38;
	[tilespmem:$0x19320] =	vst v63  }
0x38: {  	s17 =	sadd.s32 $0x10, s16;
	s15 =	sadd.s32 $0x400, s14  }
0x39: {  	[tilespmem:s15], [sflag:$0x1] =	stream.indirect_vreg.gather [hbm:s5], $0x80, v0, vm1, $0x38;
	[tilespmem:$0x19320] =	vst v63  }
0x3a: {  	s18 =	simm.s32 $0x80;
	v0 =	vld.msk [tilespmem:s17+$0x0 ss:$0x1], $0xffff;
	s17 =	smov.u32 s14  }
.LBB2_3:
0x3b: {  	p1 =	sne.s32 s18, $0x600;
	_ =	sdelay $0x4  }
0x3c: {  	vm2 =	vgt.s32 v0, $0x0  }
0x3d: {  	v0 =	vnsel vm2, $0x0, v0  }
0x3e: {  	v0 =	vmin.u32 v0, $0x27FF  }
0x3f: {  	v0 =	vshll.u32 v0, $0x4;
	_ =	sdelay $0x3  }
.Ltmp3:
0x40: {  	s19 =	sshra.s32 s18, $0x2;
	s17 =	sadd.s32 $0x800, s17;
	(pc) =	sbr.rel @p1 .LBB2_3-.Ltmp3, $4  }
0x41: {  	[tilespmem:s17], [sflag:$0x1] =	stream.indirect_vreg.gather [hbm:s5], $0x80, v0, vm0, $0x38;
	[tilespmem:$0x19320] =	vst v63  }
0x42: {  	s19 =	sadd.s32 s19, s16;
	s20 =	sadd.s32 $0x400, s17  }
0x43: {  	[tilespmem:s20], [sflag:$0x1] =	stream.indirect_vreg.gather [hbm:s5], $0x80, v0, vm1, $0x38;
	[tilespmem:$0x19320] =	vst v63  }
0x44: {  	s18 =	sadd.s32 $0x40, s18;
	v0 =	vld.msk [tilespmem:s19+$0x0 ss:$0x1], $0xffff  }
0x45: {  	_ =	sdelay $0x3  }
0x46: {  	vm2 =	vgt.s32 v0, $0x0  }
0x47: {  	v0 =	vnsel vm2, $0x0, v0  }
0x48: {  	v0 =	vmin.u32 v0, $0x27FF  }
0x49: {  	v0 =	vshll.u32 v0, $0x4;
	_ =	sdelay $0x3  }
0x4a: {  	s16 =	sadd.s32 $0x800, s17  }
0x4b: {  	[tilespmem:s16], [sflag:$0x1] =	stream.indirect_vreg.gather [hbm:s5], $0x80, v0, vm0, $0x38;
	[tilespmem:$0x19320] =	vst v63  }
0x4c: {  	s16 =	sadd.s32 $0x400, s16  }
0x4d: {  	[tilespmem:s16], [sflag:$0x1] =	stream.indirect_vreg.gather [hbm:s5], $0x80, v0, vm1, $0x38;
	[tilespmem:$0x19320] =	vst v63  }
0x4e: {  	s13 =	sshll.u32 s13, $0x4;
	_ =	swait.ge [sflag:s6], $0xC800  }
0x4f: {  	s13 =	sadd.s32 s13, s9;
	[sflag:s6] =	ssyncset.done $0x0  }
0x50: {  	s17 =	sadd.s32 $0x0, s13;
	s16 =	simm.s32 $0x80;
	[sflag:s6] =	ssyncadd.s32 $0xFFFF3800  }
.LBB2_5:
0x51: {  	[hbm:s17] =	stream.linear.scatter [tilespmem:s14], [sflag:$0x3], $0x400, $0x38;
	[tilespmem:$0x19320] =	vst v63  }
0x52: {  	s17 =	smov.u32 s16;
	s14 =	smov.u32 s15;
	p1 =	sne.s32 s16, $0x1880  }
.Ltmp4:
0x53: {  	s16 =	sadd.s32 $0x80, s16;
	(pc) =	sbr.rel @p1 .LBB2_5-.Ltmp4, $2  }
0x54: {  	_ =	sdelay $0x2  }
0x55: {  	s15 =	sadd.s32 $0x400, s15;
	s17 =	sadd.s32 s17, s13  }
.Ltmp5:
0x56: {  	_ = 	snop;
	(pc) =	sbr.rel .LBB2_6-.Ltmp5, $1  }
0x57: {  	_ =	sdelay $0x3  }
.LBB2_8:
0x58: {  	_ =	sfence.sel $0x180000  }
0x59: {  	s1 =	simm.s32 $0x2;
	[bflag:$0x0] =	sbarrier.arrive $0xFFFF  }
0x5a: {  	s30 =	simm.s32 $0x3;
	[sflag:s1] =	ssyncpa.u1 $0x1  }
0x5b: {  	s31 =	simm.s32 $0x1;
	[sflag:s30] =	ssyncpa.u1 $0x1  }
0x5c: {  	[sflag:s31] =	ssyncpa.u1 $0x1  }
0x5d: {  	p0 =	sne.s32 s0, $0x0;
	_ =	strace $0x90000059  }
0x5e: {  	s0 =	sadd.s32 @!p0 $0x100000, s2;
	[bflag:$0x2] =	sbarrier.arrive $0xFFFF  }
0x5f: {  	[sflag:s0] =	ssyncadd.tile.s32 @!p0 $0x1;
	_ =	shalt  }
.Lfunc_end2:
_tile_overlayer_lowered:
.L_overlay_start_2:
0x60: {  	(tag) =	ssettag $0x2  }
0x61: {  	s0 =	rddreg [dreg:$0x0];
	s2 =	stileid.u32  }
0x62: {  	s1 =	rddreg [dreg:$0x1];
	p0 =	sne.s32 s2, $0x0  }
0x63: {  	s3 =	rddreg [dreg:$0x2];
	[bflag:$0x3] =	sbarrier.arrive $0xFFFF;
	s2 =	simm.s32 @!p0 $0x1C01  }
0x64: {  	[timem:s3], [sflag:s2] =	dma.local @!p0 [hbm:s0], s1  }
0x65: {  	s0 =	simm.s32 @!p0 $0x1  }
0x66: {  	_ =	swait.ge @!p0 [sflag:s0], s1  }
0x67: {  	s1 =	ssub.s32 @!p0 $0x0, s1;
	[sflag:s0] =	ssyncset.done @!p0 $0x0  }
0x68: {  	[sflag:s0] =	ssyncadd.s32 @!p0 s1  }
0x69: {  	[bflag:$0x3] =	sbarrier.arrive $0xFFFF  }
0x6a: {  	_ =	shalt  }

// kernel: gather_offload_async_start
scs
__scs_entry_jumppad:
0x0: {  	(pc) =	sbr.rel $0x88, $3  }
0x1: {  	(tag) =	ssettag $0x0;
	lr =	simm.s32 $0x1  }
0x2: {  	[smem:$0x3F91] =	sst lr;
	_ =	strace $0xD0000000  }
0x3: {  	_ = 	snop  }
0x4: {  	_ = 	snop  }
0x5: {  	_ = 	snop  }
0x6: {  	_ = 	snop  }
0x7: {  	_ = 	snop  }
__scs_overlays_trampoline_lowered:
0x8: {  	[smem:$0x3FA0] =	sst s0  }
0x9: {  	[smem:$0x3FA1] =	sst s1  }
0xa: {  	[smem:$0x3FA2] =	sst s2  }
0xb: {  	[smem:$0x3FA3] =	sst s3  }
0xc: {  	[smem:$0x3FA4] =	sst s4  }
0xd: {  	[smem:$0x3FA5] =	sst s5  }
0xe: {  	[smem:$0x3FA6] =	sst s6  }
0xf: {  	[smem:$0x3FA7] =	sst s7  }
0x10: {  	[smem:$0x3FA8] =	sst s8  }
0x11: {  	[smem:$0x3FA9] =	sst s9;
	s0 =	simm.s32 @!p0 $0x0  }
0x12: {  	s1 =	sld [smem:$0x3F8F];
	s0 =	simm.s32 @p0 $0x1  }
0x13: {  	[smem:$0x3FAA] =	sst s0;
	s0 =	simm.s32 @!p1 $0x0  }
0x14: {  	s2 =	sld [smem:$0x3F8E];
	s0 =	simm.s32 @p1 $0x1  }
0x15: {  	[smem:$0x3FAB] =	sst s0;
	s0 =	simm.s32 @!p2 $0x0  }
0x16: {  	s3 =	sld [smem:$0x3FDB];
	s0 =	simm.s32 @p2 $0x1  }
0x17: {  	s4 =	simm.s32 $0x1BF5;
	[smem:$0x3FAD] =	sst s0  }
0x18: {  	s0 =	sld [smem:$0x3F90];
	_ =	swait.ge [sflag:s4], $0x0  }
0x19: {  	s7 =	sld [smem:$0x3F91]  }
0x1a: {  	s8 =	sadd.s32 $0xFFFFE003, lr  }
0x1b: {  	s9 =	sadd.s32 $0xFFFFFEF7, lr;
	s5 =	simm.s32 $0xFFFFFFFF;
	p2 =	slt.u32 s8, $0xFFFFF086  }
0x1c: {  	p1 =	slt.u32 s9, $0xF7A;
	s5 =	simm.s32 @!p2 $0x0  }
0x1d: {  	s5 =	simm.s32 @p1 $0x1;
	p0 =	seq.s32 s7, s2  }
0x1e: {  	s7 =	smul.u32 @!p0 $0xF7A, s2;
	p2 =	seq.s32 @!p0 s5, $0x0  }
0x1f: {  	s9 =	smul.u32 $0xF7A, s1;
	s8 =	simm.s32 @!p0 $0x1BF5;
	p2 =	por !p2, p0  }
0x20: {  	[sflag:s8] =	ssyncset.s32 @!p0 $0xFFFFF086;
	s6 =	sadd.s32 @!p0 s3, s7;
	s7 =	simm.s32 @!p0 $0x108  }
0x21: {  	s3 =	sadd.s32 s3, s9;
	s6 =	sadd.s32 @!p0 $0x88, s6;
	s7 =	simm.s32 @p2 $0x1082  }
0x22: {  	[simem:s7], [sflag:s8] =	dma.local @!p0 [hbm:s6], $0xF7A  }
0x23: {  	s9 =	sor.u32 $0xD0000000, s2;
	s6 =	simm.s32 $0x108;
	_ =	swait.ge @!p0 [sflag:s8], $0x0  }
0x24: {  	s3 =	sadd.s32 $0x88, s3;
	s6 =	simm.s32 @!p1 $0x1082;
	[sflag:s4] =	ssyncset.s32 $0xFFFFF086  }
0x25: {  	[simem:s6], [sflag:s4] =	dma.local [hbm:s3], $0xF7A  }
0x26: {  	[smem:$0x3F91] =	sst s1;
	(tag) =	ssettag s2;
	_ =	strace s9  }
0x27: {  	s1 =	sld [smem:$0x3FA1]  }
0x28: {  	s2 =	sld [smem:$0x3FA2]  }
0x29: {  	s4 =	sld [smem:$0x3FA4]  }
0x2a: {  	p0 =	seq.s32 s5, $0x0;
	s5 =	sld [smem:$0x3FA5]  }
0x2b: {  	s6 =	sld [smem:$0x3FA6]  }
0x2c: {  	s7 =	sld [smem:$0x3FA7]  }
0x2d: {  	s3 =	simm.s32 $0x108;
	s8 =	sld [smem:$0x3FA8]  }
0x2e: {  	s3 =	simm.s32 @!p0 $0x1082;
	s9 =	sld [smem:$0x3FA9]  }
0x2f: {  	lr =	sadd.s32 s0, s3;
	s0 =	sld [smem:$0x3FA0]  }
0x30: {  	s3 =	sld [smem:$0x3FA3]  }
0x31: {  	[smem:$0x3FAC] =	sst s10  }
0x32: {  	s10 =	sld [smem:$0x3FAA];
	_ =	sdelay $0x3  }
0x33: {  	p0 =	seq.s32 s10, $0x1;
	s10 =	sld [smem:$0x3FAC];
	_ =	sdelay $0x3  }
0x34: {  	[smem:$0x3FAC] =	sst s10  }
0x35: {  	s10 =	sld [smem:$0x3FAB];
	_ =	sdelay $0x3  }
0x36: {  	p1 =	seq.s32 s10, $0x1;
	s10 =	sld [smem:$0x3FAC];
	_ =	sdelay $0x3  }
0x37: {  	[smem:$0x3FAC] =	sst s10  }
0x38: {  	s10 =	sld [smem:$0x3FAD]  }
0x39: {  	_ = 	snop;
	(pc) =	sbr.ind lr, $3  }
0x3a: {  	_ = 	snop  }
0x3b: {  	_ = 	snop  }
0x3c: {  	p2 =	seq.s32 s10, $0x1;
	s10 =	sld [smem:$0x3FAC]  }
0x3d: {  	_ =	shalt  }
0x3e: {  	_ =	shalt  }
0x3f: {  	_ =	shalt  }
0x40: {  	_ =	shalt  }
0x41: {  	_ =	shalt  }
0x42: {  	_ =	shalt  }
0x43: {  	_ =	shalt  }
0x44: {  	_ =	shalt  }
0x45: {  	_ =	shalt  }
0x46: {  	_ =	shalt  }
0x47: {  	_ =	shalt  }
0x48: {  	_ =	shalt  }
0x49: {  	_ =	shalt  }
0x4a: {  	_ =	shalt  }
0x4b: {  	_ =	shalt  }
0x4c: {  	_ =	shalt  }
0x4d: {  	_ =	shalt  }
0x4e: {  	_ =	shalt  }
0x4f: {  	_ =	shalt  }
0x50: {  	_ =	shalt  }
0x51: {  	_ =	shalt  }
0x52: {  	_ =	shalt  }
0x53: {  	_ =	shalt  }
0x54: {  	_ =	shalt  }
0x55: {  	_ =	shalt  }
0x56: {  	_ =	shalt  }
0x57: {  	_ =	shalt  }
0x58: {  	_ =	shalt  }
0x59: {  	_ =	shalt  }
0x5a: {  	_ =	shalt  }
0x5b: {  	_ =	shalt  }
0x5c: {  	_ =	shalt  }
0x5d: {  	_ =	shalt  }
0x5e: {  	_ =	shalt  }
0x5f: {  	_ =	shalt  }
0x60: {  	_ =	shalt  }
0x61: {  	_ =	shalt  }
0x62: {  	_ =	shalt  }
0x63: {  	_ =	shalt  }
0x64: {  	_ =	shalt  }
0x65: {  	_ =	shalt  }
0x66: {  	_ =	shalt  }
0x67: {  	_ =	shalt  }
0x68: {  	_ =	shalt  }
0x69: {  	_ =	shalt  }
0x6a: {  	_ =	shalt  }
0x6b: {  	_ =	shalt  }
0x6c: {  	_ =	shalt  }
0x6d: {  	_ =	shalt  }
0x6e: {  	_ =	shalt  }
0x6f: {  	_ =	shalt  }
0x70: {  	_ =	shalt  }
0x71: {  	_ =	shalt  }
0x72: {  	_ =	shalt  }
0x73: {  	_ =	shalt  }
0x74: {  	_ =	shalt  }
0x75: {  	_ =	shalt  }
0x76: {  	_ =	shalt  }
0x77: {  	_ =	shalt  }
0x78: {  	_ =	shalt  }
0x79: {  	_ =	shalt  }
0x7a: {  	_ =	shalt  }
0x7b: {  	_ =	shalt  }
0x7c: {  	_ =	shalt  }
0x7d: {  	_ =	shalt  }
0x7e: {  	_ =	shalt  }
0x7f: {  	_ =	shalt  }
0x80: {  	_ =	shalt  }
0x81: {  	_ =	shalt  }
0x82: {  	_ =	shalt  }
0x83: {  	_ =	shalt  }
0x84: {  	_ =	shalt  }
0x85: {  	_ =	shalt  }
0x86: {  	_ =	shalt  }
0x87: {  	_ =	shalt  }
.Lfunc_end0:
.L_simem_size_0:
called_computation.2_lowered:
.L_overlay_start_0:
0x88: {  	s2 =	sld [smem:$0x3FD9]  }
0x89: {  	s3 =	sld [smem:$0x3FFE];
	_ =	sdelay $0x1  }
0x8a: {  	s1 =	srdreg.scid  }
0x8b: {  	s0 =	sand.u32 $0x1, s1  }
0x8c: {  	s16 =	sshll.u32 s0, $0xA;
	s2 =	sadd.s32 s3, s2  }
0x8d: {  	s2 =	sadd.s32 s2, s16  }
0x8e: {  	[smem:$0x3FB8] =	sst s2  }
0x8f: {  	_ = 	snop  }
0x90: {  	(tm) =	ssettm $0x1  }
0x91: {  	s17 =	sld [smem:$0x3FFB];
	_ =	sdelay $0x3  }
0x92: {  	_ =	strace s17  }
0x93: {  	s2 =	sld [smem:$0x3FFC];
	_ =	sdelay $0x3  }
0x94: {  	_ =	strace s2  }
0x95: {  	s2 =	sld [smem:$0x3FFD];
	_ =	sdelay $0x3  }
0x96: {  	_ =	strace s2  }
0x97: {  	_ =	strace $0x8FFFFFFF  }
0x98: {  	s18 =	sld [smem:$0x3FDB];
	_ =	sdelay $0x1  }
0x99: {  	s19 =	simm.s32 $_scs_section_size  }
0x9a: {  	s4 =	simm.s32 $_size__tile_overlayer_lowered;
	s5 =	simm.s32 $_tile_overlayer_lowered  }
0x9b: {  	s22 =	simm.s32 $0x1BFF;
	s21 =	sshll.u32 s5, $0x1;
	s2 =	sadd.s32 s19, s18  }
0x9c: {  	s6 =	simm.s32 $0x0;
	s20 =	sshll.u32 s4, $0x1;
	s4 =	sadd.s32 s21, s2  }
0x9d: {  	[timem:s6], [sflag:s22] =	dma.local [hbm:s4], s20  }
0x9e: {  	_ =	swait.ge [sflag:s22], s20  }
0x9f: {  	s3 =	ssub.s32 $0x0, s20;
	[sflag:s22] =	ssyncset.done $0x0  }
0xa0: {  	[sflag:s22] =	ssyncadd.s32 s3;
	_ =	sdelay $0x1  }
0xa1: {  	s23 =	simm.s32 $0x1B8B  }
0xa2: {  	_ =	swait.ge [sflag:s23], $0x1  }
0xa3: {  	[sflag:s23] =	ssyncset.done $0x0  }
0xa4: {  	s25 =	simm.s32 $0x1B8E;
	s24 =	sld [smem:$0x3FFE];
	[sflag:s23] =	ssyncadd.s32 $0xFFFFFFFF  }
0xa5: {  	s26 =	simm.s32 $execute0_lowered;
	[smem:$0x3FD2] =	sst s25  }
0xa6: {  	s4 =	sshll.u32 s26, $0x1;
	_ =	strace $0x80000049;
	[dreg:$0x1] =	wrdreg $0xFFFFFFFF  }
0xa7: {  	s28 =	simm.s32 $_size_execute0_lowered;
	s2 =	sadd.s32 s2, s4;
	[dreg:$0x0] =	wrdreg $0x0  }
0xa8: {  	s4 =	sshll.u32 s28, $0x1;
	[dreg:$0x2] =	wrdreg s2  }
0xa9: {  	[dreg:$0x3] =	wrdreg s4  }
0xaa: {  	[dreg:$0x4] =	wrdreg $0xC0  }
0xab: {  	_ =	task [dreg:s6], $0x5FFFF  }
0xac: {  	[dreg:$0x1] =	wrdreg $0xFFFFFFFF  }
0xad: {  	[dreg:$0x0] =	wrdreg $0x60  }
0xae: {  	[dreg:$0x2] =	wrdreg s24  }
0xaf: {  	[dreg:$0x3] =	wrdreg $0x9  }
0xb0: {  	_ =	task.clear_ibuf [dreg:s6], $0x4FFFF;
	_ =	strace $0x90000049  }
0xb1: {  	s29 =	simm.s32 $0x9;
	_ =	strace $0x8000004B  }
0xb2: {  	_ =	swait.ge [sflag:s29], $0x1  }
0xb3: {  	[sflag:s29] =	ssyncadd.s32 $0xFFFFFFFF  }
0xb4: {  	_ =	strace $0x9000004B  }
0xb5: {  	_ =	sfence  }
0xb6: {  	s30 =	sld [smem:$0x0];
	_ =	sdelay $0x2  }
0xb7: {  	s31 =	sshll.u32 s1, $0xD;
	s1 =	sshrl.u32 s1, $0x2  }
0xb8: {  	s3 =	sand.u32 $0x4000, s31;
	s1 =	sadd.s32 s1, s30  }
0xb9: {  	s0 =	sor.u32 s3, s0;
	s1 =	sshll.u32 s1, $0x11  }
0xba: {  	s0 =	sor.u32 s1, s0  }
0xbb: {  	s0 =	sadd.s32 $0x8F2B, s0  }
0xbc: {  	[sflag:s0] =	ssyncadd.remote.s32 $0x1  }
0xbd: {  	_ =	sfence.sel $0xFFFF  }
0xbe: {  	[dreg:$0x0] =	wrdreg $0xFFFFFFFF;
	(pc) =	sbr.abs _section_cstart, $3  }
0xbf: {  	[dreg:$0x1] =	wrdreg $0xFFFFFFFF  }
0xc0: {  	_ =	task.clear_ibuf [dreg:s6], $0x2FFFF;
	_ =	strace $0x9FFFFFFF  }
0xc1: {  	(tm) =	ssettm $0x7FFFFFFF  }
tec
execute0_lowered:
.L_overlay_start_1:
0x0: {  	(tag) =	ssettag $0x1  }
0x1: {  	s8 =	rddreg [dreg:$0x0]  }
0x2: {  	s0 =	rddreg [dreg:$0x1];
	_ =	strace $0x8000004A;
	s1 =	stileid.u32  }
0x3: {  	s3 =	srdreg.scid;
	s4 =	simm.s32 $0x1;
	s7 =	simm.s32 $0x1  }
0x4: {  	s9 =	simm.s32 $0x1;
	s10 =	simm.s32 $0x3;
	s13 =	simm.s32 $0x0  }
0x5: {  	s12 =	simm.s32 $0x0;
	s5 =	sand.u32 $0x1, s3;
	s6 =	sshll.u32 s1, $0x1  }
0x6: {  	s2 =	sadd.s32 $0xA000, s8;
	s3 =	sadd.s32 $0xF000, s8;
	s5 =	sor.u32 s6, s5  }
.Ltmp0:
0x7: {  	[sflag:s4] =	ssyncpa.u1 $0x0;
	p0 =	slt.u32 s5, $0x9;
	(pc) =	sbr.rel .LBB2_1-.Ltmp0, $4  }
0x8: {  	s6 =	simm.s32 $0x2;
	s7 =	simm.s32 @!p0 $0x0;
	p0 =	sne.s32 s5, $0x8  }
0x9: {  	[sflag:s6] =	ssyncpa.u1 $0x0;
	s5 =	smul.u32 $0xFA0, s5;
	s9 =	simm.s32 @!p0 $0x0  }
0xa: {  	s8 =	sadd.s32 $0x18200, s8;
	[sflag:s10] =	ssyncpa.u1 $0x0;
	s7 =	sadd.s32 s9, s7  }
0xb: {  	vm0 =	vmmov $0xffff;
	s10 =	simm.s32 $0x0;
	s11 =	smov.u32 s5;
	s9 =	sadd.s32 $0x1, s7  }
.LBB2_4:
0xc: {  	v2 =	vnsel vm1, $0x0, v2  }
0xd: {  	vm1 =	vgt.s32 v0, $0x0;
	v2 =	vmin.u32 v2, $0x270FF  }
0xe: {  	v0 =	vnsel vm1, $0x0, v0  }
0xf: {  	v0 =	vmin.u32 v0, $0x270FF  }
0x10: {  	[tilespmem:s18], [sflag:$0x1] =	stream.indirect_vreg.gather [hbm4b:s2+s10], $0x1, v1, vm0, $0x4038;
	[tilespmem:$0x3E80] =	vst v63  }
0x11: {  	(ifvalue) =	ssetifvalue $0x7FFFFFFF  }
0x12: {  	[tilespmem:s15], [sflag:$0x1] =	stream.indirect_vreg.gather [hbm4b:s2+s10], $0x1, v2, vm0, $0x4038;
	[tilespmem:$0x3E80] =	vst v63  }
0x13: {  	s29 =	sadd.s32 $0x10, s15;
	(ifvalue) =	ssetifvalue $0x7FFFFFFF  }
0x14: {  	[tilespmem:s29], [sflag:$0x1] =	stream.indirect_vreg.gather [hbm4b:s2+s10], $0x1, v0, vm0, $0x4038;
	[tilespmem:$0x3E80] =	vst v63  }
0x15: {  	_ =	swait.ge [sflag:s4], $0xFA0  }
0x16: {  	s30 =	sshrl.u32 s13, $0x3;
	[sflag:s4] =	ssyncset.done $0x0  }
0x17: {  	s31 =	sand.u32 $0x7, s13;
	s15 =	sadd.s32 s8, s30;
	[sflag:s4] =	ssyncadd.s32 $0xFFFFF060  }
0x18: {  	[hbm4b:s15+s31] =	stream.linear.scatter [tilespmem:s14], [sflag:$0x3], $0xFA0, $0x38;
	[tilespmem:$0x3E80] =	vst v63  }
.LBB2_5:
0x19: {  	s15 =	sadd.s32 $0x1F400, s11  }
0x1a: {  	p1 =	sgt.s32 s15, $0x270FF  }
0x1b: {  	s15 =	smov.u32 @p1 s5;
	p1 =	sne.s32 s12, s9  }
.Ltmp1:
0x1c: {  	p0 =	slt.u32 s12, $0x2;
	(pc) =	sbr.rel @!p1 .LBB2_6-.Ltmp1, $4  }
0x1d: {  	s14 =	simm.s32 @!p0 $0x3  }
0x1e: {  	_ =	swait.ge @!p0 [sflag:s14], $0xFA0  }
0x1f: {  	s16 =	sadd.s32 $0x1, s12;
	s13 =	smov.u32 s11;
	[sflag:s14] =	ssyncset.done @!p0 $0x0  }
0x20: {  	s12 =	smov.u32 s16;
	s11 =	smov.u32 s15;
	[sflag:s14] =	ssyncadd.s32 @!p0 $0xFFFFF060  }
.LBB2_1:
0x21: {  	p0 =	sge.u32 s12, s7  }
0x22: {  	s14 =	sxor.u32 @!p0 $0x1, s12  }
0x23: {  	s14 =	smul.u32 @!p0 $0x3E80, s14  }
0x24: {  	s31 =	sadd.s32 $0xFFFFFFFF, s12;
	s15 =	sshrl.u32 @!p0 s11, $0x3  }
0x25: {  	s16 =	sand.u32 @!p0 $0x7, s11;
	s15 =	sadd.s32 @!p0 s3, s15;
	s14 =	sshra.s32 @!p0 s14, $0x2  }
0x26: {  	[tilespmem:s14], [sflag:$0x2] =	stream.linear.gather @!p0 [hbm4b:s15+s16], $0xFA0, $0x38;
	[tilespmem:$0x3E80] =	vst v63  }
0x27: {  	p0 =	sge.u32 s31, s7  }
.Ltmp2:
0x28: {  	_ = 	snop;
	(pc) =	sbr.rel @p0 .LBB2_5-.Ltmp2, $1  }
0x29: {  	_ =	sdelay $0x3  }
0x2a: {  	s14 =	sand.u32 $0x1, s12  }
0x2b: {  	_ =	swait.ge [sflag:s6], $0xFA0;
	p0 =	seq.s32 s14, $0x1;
	s14 =	simm.s32 $0xFA0  }
0x2c: {  	[sflag:s6] =	ssyncset.done $0x0;
	s14 =	simm.s32 @!p0 $0x0  }
0x2d: {  	[sflag:s6] =	ssyncadd.s32 $0xFFFFF060;
	(ifvalue) =	ssetifvalue $0x7FFFFFFF;
	v0 =	vld.msk [tilespmem:s14+$0x0 ss:$0x1], $0xffff;
	_ =	sdelay $0x4  }
0x2e: {  	s15 =	sadd.s32 $0x10, s14;
	vm1 =	vgt.s32 v0, $0x0  }
0x2f: {  	v2 =	vld.msk [tilespmem:s15+$0x0 ss:$0x1], $0xffff;
	v1 =	vnsel vm1, $0x0, v0  }
0x30: {  	v1 =	vmin.u32 v1, $0x270FF;
	_ =	sdelay $0x2  }
0x31: {  	s17 =	simm.s32 $0x20;
	s14 =	sadd.s32 $0x1F40, s14;
	s16 =	sadd.s32 $0x10, s15  }
0x32: {  	s15 =	sadd.s32 $0x10, s14;
	s18 =	smov.u32 s14;
	v0 =	vld.msk [tilespmem:s16+$0x0 ss:$0x1], $0xffff;
	vm1 =	vgt.s32 v2, $0x0;
	(ifvalue) =	ssetifvalue $0x7FFFFFFF  }
.LBB2_3:
0x33: {  	[tilespmem:s18], [sflag:$0x1] =	stream.indirect_vreg.gather [hbm4b:s2+s10], $0x1, v1, vm0, $0x4038;
	[tilespmem:$0x3E80] =	vst v63  }
0x34: {  	s17 =	sadd.s32 $0x10, s17  }
0x35: {  	v2 =	vnsel vm1, $0x0, v2;
	p0 =	slt.u32 s17, $0xF90  }
.Ltmp3:
0x36: {  	s18 =	smov.u32 s15;
	v1 =	vmin.u32 v2, $0x270FF;
	(pc) =	sbr.rel @p0 .LBB2_3-.Ltmp3, $3  }
0x37: {  	_ =	sdelay $0x1  }
0x38: {  	s16 =	sadd.s32 $0x10, s16  }
0x39: {  	vm1 =	vgt.s32 v0, $0x0;
	s15 =	sadd.s32 $0x10, s15;
	v2 =	vmov v0;
	(ifvalue) =	ssetifvalue $0x7FFFFFFF;
	v0 =	vld.msk [tilespmem:s16+$0x0 ss:$0x1], $0xffff  }
.Ltmp4:
0x3a: {  	_ = 	snop;
	(pc) =	sbr.rel .LBB2_4-.Ltmp4, $1  }
0x3b: {  	_ =	sdelay $0x3  }
.LBB2_6:
0x3c: {  	_ =	sfence.sel $0x180000  }
0x3d: {  	s2 =	simm.s32 $0x2;
	[bflag:$0x0] =	sbarrier.arrive $0xFFFF  }
0x3e: {  	s30 =	simm.s32 $0x3;
	[sflag:s2] =	ssyncpa.u1 $0x1  }
0x3f: {  	s31 =	simm.s32 $0x1;
	[sflag:s30] =	ssyncpa.u1 $0x1  }
0x40: {  	[sflag:s31] =	ssyncpa.u1 $0x1  }
0x41: {  	p0 =	sne.s32 s1, $0x0;
	_ =	strace $0x9000004A  }
0x42: {  	s0 =	sadd.s32 @!p0 $0x100000, s0;
	[bflag:$0x2] =	sbarrier.arrive $0xFFFF  }
0x43: {  	[sflag:s0] =	ssyncadd.tile.s32 @!p0 $0x1;
	_ =	shalt  }
.Lfunc_end2:
_tile_overlayer_lowered:
.L_overlay_start_2:
0x44: {  	(tag) =	ssettag $0x2  }
0x45: {  	s0 =	rddreg [dreg:$0x0];
	s2 =	stileid.u32  }
0x46: {  	s1 =	rddreg [dreg:$0x1];
	p0 =	sne.s32 s2, $0x0  }
0x47: {  	s3 =	rddreg [dreg:$0x2];
	[bflag:$0x3] =	sbarrier.arrive $0xFFFF;
	s2 =	simm.s32 @!p0 $0x1C01  }
0x48: {  	[timem:s3], [sflag:s2] =	dma.local @!p0 [hbm:s0], s1  }
0x49: {  	s0 =	simm.s32 @!p0 $0x1  }
0x4a: {  	_ =	swait.ge @!p0 [sflag:s0], s1  }
0x4b: {  	s1 =	ssub.s32 @!p0 $0x0, s1;
	[sflag:s0] =	ssyncset.done @!p0 $0x0  }
0x4c: {  	[sflag:s0] =	ssyncadd.s32 @!p0 s1  }
0x4d: {  	[bflag:$0x3] =	sbarrier.arrive $0xFFFF  }
0x4e: {  	_ =	shalt  }

// kernel: scatter_offload_async_start.1
scs
__scs_entry_jumppad:
0x0: {  	(pc) =	sbr.rel $0x88, $3  }
0x1: {  	(tag) =	ssettag $0x0;
	lr =	simm.s32 $0x1  }
0x2: {  	[smem:$0x3F91] =	sst lr;
	_ =	strace $0xD0000000  }
0x3: {  	_ = 	snop  }
0x4: {  	_ = 	snop  }
0x5: {  	_ = 	snop  }
0x6: {  	_ = 	snop  }
0x7: {  	_ = 	snop  }
__scs_overlays_trampoline_lowered:
0x8: {  	[smem:$0x3FA0] =	sst s0  }
0x9: {  	[smem:$0x3FA1] =	sst s1  }
0xa: {  	[smem:$0x3FA2] =	sst s2  }
0xb: {  	[smem:$0x3FA3] =	sst s3  }
0xc: {  	[smem:$0x3FA4] =	sst s4  }
0xd: {  	[smem:$0x3FA5] =	sst s5  }
0xe: {  	[smem:$0x3FA6] =	sst s6  }
0xf: {  	[smem:$0x3FA7] =	sst s7  }
0x10: {  	[smem:$0x3FA8] =	sst s8  }
0x11: {  	[smem:$0x3FA9] =	sst s9;
	s0 =	simm.s32 @!p0 $0x0  }
0x12: {  	s1 =	sld [smem:$0x3F8F];
	s0 =	simm.s32 @p0 $0x1  }
0x13: {  	[smem:$0x3FAA] =	sst s0;
	s0 =	simm.s32 @!p1 $0x0  }
0x14: {  	s2 =	sld [smem:$0x3F8E];
	s0 =	simm.s32 @p1 $0x1  }
0x15: {  	[smem:$0x3FAB] =	sst s0;
	s0 =	simm.s32 @!p2 $0x0  }
0x16: {  	s3 =	sld [smem:$0x3FDB];
	s0 =	simm.s32 @p2 $0x1  }
0x17: {  	s4 =	simm.s32 $0x1BF5;
	[smem:$0x3FAD] =	sst s0  }
0x18: {  	s0 =	sld [smem:$0x3F90];
	_ =	swait.ge [sflag:s4], $0x0  }
0x19: {  	s7 =	sld [smem:$0x3F91]  }
0x1a: {  	s8 =	sadd.s32 $0xFFFFE003, lr  }
0x1b: {  	s9 =	sadd.s32 $0xFFFFFEF7, lr;
	s5 =	simm.s32 $0xFFFFFFFF;
	p2 =	slt.u32 s8, $0xFFFFF086  }
0x1c: {  	p1 =	slt.u32 s9, $0xF7A;
	s5 =	simm.s32 @!p2 $0x0  }
0x1d: {  	s5 =	simm.s32 @p1 $0x1;
	p0 =	seq.s32 s7, s2  }
0x1e: {  	s7 =	smul.u32 @!p0 $0xF7A, s2;
	p2 =	seq.s32 @!p0 s5, $0x0  }
0x1f: {  	s9 =	smul.u32 $0xF7A, s1;
	s8 =	simm.s32 @!p0 $0x1BF5;
	p2 =	por !p2, p0  }
0x20: {  	[sflag:s8] =	ssyncset.s32 @!p0 $0xFFFFF086;
	s6 =	sadd.s32 @!p0 s3, s7;
	s7 =	simm.s32 @!p0 $0x108  }
0x21: {  	s3 =	sadd.s32 s3, s9;
	s6 =	sadd.s32 @!p0 $0x88, s6;
	s7 =	simm.s32 @p2 $0x1082  }
0x22: {  	[simem:s7], [sflag:s8] =	dma.local @!p0 [hbm:s6], $0xF7A  }
0x23: {  	s9 =	sor.u32 $0xD0000000, s2;
	s6 =	simm.s32 $0x108;
	_ =	swait.ge @!p0 [sflag:s8], $0x0  }
0x24: {  	s3 =	sadd.s32 $0x88, s3;
	s6 =	simm.s32 @!p1 $0x1082;
	[sflag:s4] =	ssyncset.s32 $0xFFFFF086  }
0x25: {  	[simem:s6], [sflag:s4] =	dma.local [hbm:s3], $0xF7A  }
0x26: {  	[smem:$0x3F91] =	sst s1;
	(tag) =	ssettag s2;
	_ =	strace s9  }
0x27: {  	s1 =	sld [smem:$0x3FA1]  }
0x28: {  	s2 =	sld [smem:$0x3FA2]  }
0x29: {  	s4 =	sld [smem:$0x3FA4]  }
0x2a: {  	p0 =	seq.s32 s5, $0x0;
	s5 =	sld [smem:$0x3FA5]  }
0x2b: {  	s6 =	sld [smem:$0x3FA6]  }
0x2c: {  	s7 =	sld [smem:$0x3FA7]  }
0x2d: {  	s3 =	simm.s32 $0x108;
	s8 =	sld [smem:$0x3FA8]  }
0x2e: {  	s3 =	simm.s32 @!p0 $0x1082;
	s9 =	sld [smem:$0x3FA9]  }
0x2f: {  	lr =	sadd.s32 s0, s3;
	s0 =	sld [smem:$0x3FA0]  }
0x30: {  	s3 =	sld [smem:$0x3FA3]  }
0x31: {  	[smem:$0x3FAC] =	sst s10  }
0x32: {  	s10 =	sld [smem:$0x3FAA];
	_ =	sdelay $0x3  }
0x33: {  	p0 =	seq.s32 s10, $0x1;
	s10 =	sld [smem:$0x3FAC];
	_ =	sdelay $0x3  }
0x34: {  	[smem:$0x3FAC] =	sst s10  }
0x35: {  	s10 =	sld [smem:$0x3FAB];
	_ =	sdelay $0x3  }
0x36: {  	p1 =	seq.s32 s10, $0x1;
	s10 =	sld [smem:$0x3FAC];
	_ =	sdelay $0x3  }
0x37: {  	[smem:$0x3FAC] =	sst s10  }
0x38: {  	s10 =	sld [smem:$0x3FAD]  }
0x39: {  	_ = 	snop;
	(pc) =	sbr.ind lr, $3  }
0x3a: {  	_ = 	snop  }
0x3b: {  	_ = 	snop  }
0x3c: {  	p2 =	seq.s32 s10, $0x1;
	s10 =	sld [smem:$0x3FAC]  }
0x3d: {  	_ =	shalt  }
0x3e: {  	_ =	shalt  }
0x3f: {  	_ =	shalt  }
0x40: {  	_ =	shalt  }
0x41: {  	_ =	shalt  }
0x42: {  	_ =	shalt  }
0x43: {  	_ =	shalt  }
0x44: {  	_ =	shalt  }
0x45: {  	_ =	shalt  }
0x46: {  	_ =	shalt  }
0x47: {  	_ =	shalt  }
0x48: {  	_ =	shalt  }
0x49: {  	_ =	shalt  }
0x4a: {  	_ =	shalt  }
0x4b: {  	_ =	shalt  }
0x4c: {  	_ =	shalt  }
0x4d: {  	_ =	shalt  }
0x4e: {  	_ =	shalt  }
0x4f: {  	_ =	shalt  }
0x50: {  	_ =	shalt  }
0x51: {  	_ =	shalt  }
0x52: {  	_ =	shalt  }
0x53: {  	_ =	shalt  }
0x54: {  	_ =	shalt  }
0x55: {  	_ =	shalt  }
0x56: {  	_ =	shalt  }
0x57: {  	_ =	shalt  }
0x58: {  	_ =	shalt  }
0x59: {  	_ =	shalt  }
0x5a: {  	_ =	shalt  }
0x5b: {  	_ =	shalt  }
0x5c: {  	_ =	shalt  }
0x5d: {  	_ =	shalt  }
0x5e: {  	_ =	shalt  }
0x5f: {  	_ =	shalt  }
0x60: {  	_ =	shalt  }
0x61: {  	_ =	shalt  }
0x62: {  	_ =	shalt  }
0x63: {  	_ =	shalt  }
0x64: {  	_ =	shalt  }
0x65: {  	_ =	shalt  }
0x66: {  	_ =	shalt  }
0x67: {  	_ =	shalt  }
0x68: {  	_ =	shalt  }
0x69: {  	_ =	shalt  }
0x6a: {  	_ =	shalt  }
0x6b: {  	_ =	shalt  }
0x6c: {  	_ =	shalt  }
0x6d: {  	_ =	shalt  }
0x6e: {  	_ =	shalt  }
0x6f: {  	_ =	shalt  }
0x70: {  	_ =	shalt  }
0x71: {  	_ =	shalt  }
0x72: {  	_ =	shalt  }
0x73: {  	_ =	shalt  }
0x74: {  	_ =	shalt  }
0x75: {  	_ =	shalt  }
0x76: {  	_ =	shalt  }
0x77: {  	_ =	shalt  }
0x78: {  	_ =	shalt  }
0x79: {  	_ =	shalt  }
0x7a: {  	_ =	shalt  }
0x7b: {  	_ =	shalt  }
0x7c: {  	_ =	shalt  }
0x7d: {  	_ =	shalt  }
0x7e: {  	_ =	shalt  }
0x7f: {  	_ =	shalt  }
0x80: {  	_ =	shalt  }
0x81: {  	_ =	shalt  }
0x82: {  	_ =	shalt  }
0x83: {  	_ =	shalt  }
0x84: {  	_ =	shalt  }
0x85: {  	_ =	shalt  }
0x86: {  	_ =	shalt  }
0x87: {  	_ =	shalt  }
.Lfunc_end0:
.L_simem_size_0:
called_computation.1_lowered:
.L_overlay_start_0:
0x88: {  	s0 =	sld [smem:$0x3FD9]  }
0x89: {  	s1 =	sld [smem:$0x3FFE];
	_ =	sdelay $0x3  }
0x8a: {  	s0 =	sadd.s32 s1, s0  }
0x8b: {  	[smem:$0x3FB8] =	sst s0  }
0x8c: {  	_ = 	snop  }
0x8d: {  	(tm) =	ssettm $0x1  }
0x8e: {  	s15 =	sld [smem:$0x3FFB];
	_ =	sdelay $0x3  }
0x8f: {  	_ =	strace s15  }
0x90: {  	s0 =	sld [smem:$0x3FFC];
	_ =	sdelay $0x3  }
0x91: {  	_ =	strace s0  }
0x92: {  	s0 =	sld [smem:$0x3FFD];
	_ =	sdelay $0x3  }
0x93: {  	_ =	strace s0  }
0x94: {  	_ =	strace $0x8FFFFFFF  }
0x95: {  	s16 =	sld [smem:$0x3FDB];
	_ =	sdelay $0x1  }
0x96: {  	s17 =	simm.s32 $_scs_section_size  }
0x97: {  	s2 =	simm.s32 $_size__tile_overlayer_lowered;
	s3 =	simm.s32 $_tile_overlayer_lowered  }
0x98: {  	s20 =	simm.s32 $0x1BFF;
	s19 =	sshll.u32 s3, $0x1;
	s0 =	sadd.s32 s17, s16  }
0x99: {  	s4 =	simm.s32 $0x0;
	s18 =	sshll.u32 s2, $0x1;
	s2 =	sadd.s32 s19, s0  }
0x9a: {  	[timem:s4], [sflag:s20] =	dma.local [hbm:s2], s18  }
0x9b: {  	_ =	swait.ge [sflag:s20], s18  }
0x9c: {  	s1 =	ssub.s32 $0x0, s18;
	[sflag:s20] =	ssyncset.done $0x0  }
0x9d: {  	[sflag:s20] =	ssyncadd.s32 s1;
	_ =	sdelay $0x1  }
0x9e: {  	s21 =	simm.s32 $0x1B8B  }
0x9f: {  	_ =	swait.ge [sflag:s21], $0x1  }
0xa0: {  	[sflag:s21] =	ssyncset.done $0x0  }
0xa1: {  	s23 =	simm.s32 $0x1B8E;
	s22 =	sld [smem:$0x3FFE];
	[sflag:s21] =	ssyncadd.s32 $0xFFFFFFFF  }
0xa2: {  	s24 =	simm.s32 $execute0_lowered;
	[smem:$0x3FD2] =	sst s23  }
0xa3: {  	s2 =	sshll.u32 s24, $0x1;
	_ =	strace $0x8000004C;
	[dreg:$0x1] =	wrdreg $0xFFFFFFFF  }
0xa4: {  	s25 =	simm.s32 $_size_execute0_lowered;
	s0 =	sadd.s32 s0, s2;
	[dreg:$0x0] =	wrdreg $0x0  }
0xa5: {  	s2 =	sshll.u32 s25, $0x1;
	[dreg:$0x2] =	wrdreg s0  }
0xa6: {  	[dreg:$0x3] =	wrdreg s2  }
0xa7: {  	[dreg:$0x4] =	wrdreg $0xC0  }
0xa8: {  	_ =	task [dreg:s4], $0x5FFFF  }
0xa9: {  	[dreg:$0x1] =	wrdreg $0xFFFFFFFF  }
0xaa: {  	[dreg:$0x0] =	wrdreg $0x60  }
0xab: {  	[dreg:$0x2] =	wrdreg s22  }
0xac: {  	[dreg:$0x3] =	wrdreg $0x9  }
0xad: {  	_ =	task.clear_ibuf [dreg:s4], $0x4FFFF;
	_ =	strace $0x9000004C  }
0xae: {  	s26 =	simm.s32 $0x9;
	_ =	strace $0x8000004E  }
0xaf: {  	_ =	swait.ge [sflag:s26], $0x1  }
0xb0: {  	[sflag:s26] =	ssyncadd.s32 $0xFFFFFFFF  }
0xb1: {  	_ =	strace $0x9000004E  }
0xb2: {  	_ =	sfence  }
0xb3: {  	s28 =	sld [smem:$0x0];
	_ =	sdelay $0x1  }
0xb4: {  	s29 =	srdreg.scid  }
0xb5: {  	s30 =	sshll.u32 s29, $0xD;
	s31 =	sshrl.u32 s29, $0x2  }
0xb6: {  	s1 =	sand.u32 $0x1, s29;
	s2 =	sand.u32 $0x4000, s30;
	s0 =	sadd.s32 s31, s28  }
0xb7: {  	s1 =	sor.u32 s2, s1;
	s0 =	sshll.u32 s0, $0x11  }
0xb8: {  	s0 =	sor.u32 s0, s1  }
0xb9: {  	s0 =	sadd.s32 $0x8F2B, s0  }
0xba: {  	[sflag:s0] =	ssyncadd.remote.s32 $0x1  }
0xbb: {  	_ =	sfence.sel $0xFFFF  }
0xbc: {  	[dreg:$0x0] =	wrdreg $0xFFFFFFFF;
	(pc) =	sbr.abs _section_cstart, $3  }
0xbd: {  	[dreg:$0x1] =	wrdreg $0xFFFFFFFF  }
0xbe: {  	_ =	task.clear_ibuf [dreg:s4], $0x2FFFF;
	_ =	strace $0x9FFFFFFF  }
0xbf: {  	(tm) =	ssettm $0x7FFFFFFF  }
tec
execute0_lowered:
.L_overlay_start_1:
0x0: {  	(tag) =	ssettag $0x1  }
0x1: {  	s7 =	rddreg [dreg:$0x0]  }
0x2: {  	s0 =	rddreg [dreg:$0x1]  }
0x3: {  	_ =	strace $0x8000004D;
	s3 =	stileid.u32;
	s4 =	simm.s32 $0x3E  }
0x4: {  	s1 =	sadd.s32 $0x1D200, s7;
	p0 =	sne.s32 s3, $0x0;
	[sflag:s4] =	ssyncpa.u1 $0x0  }
0x5: {  	s30 =	smin.u32 s3, $0x9;
	s2 =	simm.s32 @!p0 $0x1C3E;
	s5 =	simm.s32 @!p0 $0x0  }
0x6: {  	[spmem:s5], [sflag:s2] =	dma.local @!p0 [hbm:s1], $0x5000  }
0x7: {  	s2 =	sadd.s32 s3, s30  }
0x8: {  	p1 =	slt.u32 s3, $0x9;
	s3 =	simm.s32 $0x320;
	s2 =	smul.u32 $0x190, s2  }
0x9: {  	s3 =	simm.s32 @!p1 $0x190  }
0xa: {  	s3 =	sadd.s32 s3, s2  }
0xb: {  	s3 =	smin.u32 s3, $0x2710  }
0xc: {  	s8 =	ssub.s32 s3, s2  }
0xd: {  	p1 =	sgt.s32 s8, $0x0  }
0xe: {  	s8 =	simm.s32 @!p1 $0x0  }
0xf: {  	s6 =	sand.u32 $0xFFF0, s8  }
0x10: {  	s5 =	simm.s32 @!p0 $0x3E;
	s6 =	sshrl.u32 s6, $0x4  }
0x11: {  	_ =	swait.ge @!p0 [sflag:s5], $0x5000;
	s31 =	smul.u32 $0xA3E, s6  }
0x12: {  	[sflag:s5] =	ssyncset.done @!p0 $0x0  }
0x13: {  	[sflag:s5] =	ssyncadd.s32 @!p0 $0xFFFFB000;
	s9 =	sshrl.u32 s31, $0x10  }
0x14: {  	s11 =	simm.s32 $0x0;
	[bflag:$0x0] =	sbarrier.arrive $0xFFFF;
	s10 =	smul.u32 $0x190, s9  }
.Ltmp0:
0x15: {  	[sflag:s4] =	ssyncpa.u1 $0x1;
	s4 =	simm.s32 $0x1;
	(pc) =	sbr.rel .LBB2_1-.Ltmp0, $4  }
0x16: {  	s5 =	sadd.s32 $0xE00, s7;
	s7 =	sadd.s32 $0x800, s7;
	[sflag:s4] =	ssyncpa.u1 $0x0  }
0x17: {  	s6 =	simm.s32 $0x2;
	p1 =	sne.s32 s8, s10;
	s8 =	simm.s32 $0x1  }
0x18: {  	(ifvalue) =	ssetifvalue $0x28000;
	[sflag:s6] =	ssyncpa.u1 $0x0;
	s8 =	simm.s32 @!p1 $0x0  }
0x19: {  	vm0 =	vmmov $0xffff;
	s10 =	smov.u32 s2;
	s8 =	sadd.s32 s9, s8;
	s9 =	simm.s32 $0x0  }
.LBB2_5:
0x1a: {  	p2 =	sne.s32 s11, s8  }
.Ltmp1:
0x1b: {  	_ = 	snop;
	(pc) =	sbr.rel @!p2 .LBB2_6-.Ltmp1, $4  }
0x1c: {  	_ = 	snop  }
0x1d: {  	s12 =	sadd.s32 $0x190, s10  }
0x1e: {  	s10 =	smov.u32 s2;
	s13 =	sadd.s32 $0x1, s11;
	p1 =	slt.s32 s12, s3  }
0x1f: {  	s11 =	smov.u32 s13;
	s10 =	smov.u32 @p1 s12  }
.LBB2_1:
0x20: {  	p1 =	sge.u32 s11, s8  }
0x21: {  	s12 =	sxor.u32 @!p1 $0xFFFFFFFF, s11  }
0x22: {  	s12 =	sand.u32 @!p1 $0x1, s12  }
0x23: {  	s12 =	smul.u32 @!p1 $0x190, s12  }
0x24: {  	s13 =	sshrl.u32 @!p1 s10, $0x3  }
0x25: {  	s16 =	sand.u32 @!p1 $0x7, s10;
	s14 =	sadd.s32 @!p1 s5, s13;
	s15 =	sor.u32 @!p1 $0x2800, s12  }
0x26: {  	[tilespmem:s15], [sflag:$0x2] =	stream.linear.gather @!p1 [hbm4b:s14+s16], $0x190, $0x38;
	[tilespmem:$0x2E40] =	vst v63  }
0x27: {  	s13 =	sadd.s32 @!p1 s7, s13;
	s12 =	sadd.s32 @!p1 $0x2B20, s12  }
0x28: {  	[tilespmem:s12], [sflag:$0x2] =	stream.linear.gather @!p1 [hbm4b:s13+s16], $0x190, $0x38;
	[tilespmem:$0x2E40] =	vst v63  }
0x29: {  	p1 =	seq.s32 s11, $0x0  }
.Ltmp2:
0x2a: {  	_ = 	snop;
	(pc) =	sbr.rel @p1 .LBB2_5-.Ltmp2, $1  }
0x2b: {  	_ =	sdelay $0x3  }
0x2c: {  	s12 =	sand.u32 $0x1, s11  }
0x2d: {  	_ =	swait.ge [sflag:s6], $0x320;
	p1 =	seq.s32 s12, $0x1;
	s12 =	simm.s32 $0x190  }
0x2e: {  	[sflag:s6] =	ssyncset.done $0x0;
	s12 =	simm.s32 @!p1 $0x0  }
0x2f: {  	[sflag:s6] =	ssyncadd.s32 $0xFFFFFCE0;
	s14 =	sor.u32 $0x2800, s12  }
0x30: {  	v0 =	vld.msk [tilespmem:s14+$0x0 ss:$0x1], $0xffff;
	_ =	sdelay $0x4  }
0x31: {  	v0 =	vmin.u32 v0, $0x28000;
	_ =	sdelay $0x3  }
0x32: {  	s13 =	simm.s32 $0x0;
	s12 =	sadd.s32 $0x2B20, s12;
	s14 =	sadd.s32 $0x10, s14  }
0x33: {  	[spmem:s9] =	stream.indirect_vreg.scatter.add.s32 [tilespmem:s12], [sflag:$0x1], $0x1, v0, vm0, $0x4038;
	[tilespmem:$0x2E40] =	vst v63  }
.LBB2_3:
0x34: {  	v0 =	vld.msk [tilespmem:s14+$0x0 ss:$0x1], $0xffff;
	s13 =	sadd.s32 $0x10, s13  }
0x35: {  	p1 =	slt.u32 s13, $0x180;
	_ =	sdelay $0x4  }
0x36: {  	v0 =	vmin.u32 v0, $0x28000  }
.Ltmp3:
0x37: {  	(pc) =	sbr.rel @p1 .LBB2_3-.Ltmp3, $3  }
0x38: {  	_ =	sdelay $0x1  }
0x39: {  	s14 =	sadd.s32 $0x10, s14;
	s12 =	sadd.s32 $0x10, s12  }
0x3a: {  	[spmem:s9] =	stream.indirect_vreg.scatter.add.s32 [tilespmem:s12], [sflag:$0x1], $0x1, v0, vm0, $0x4038;
	[tilespmem:$0x2E40] =	vst v63  }
.Ltmp4:
0x3b: {  	(pc) =	sbr.rel .LBB2_5-.Ltmp4, $4  }
0x3c: {  	_ = 	snop  }
0x3d: {  	_ =	swait.ge [sflag:s4], $0x190  }
0x3e: {  	[sflag:s4] =	ssyncset.done $0x0  }
0x3f: {  	[sflag:s4] =	ssyncadd.s32 $0xFFFFFE70  }
.LBB2_6:
0x40: {  	_ =	sfence.sel $0x180000  }
0x41: {  	s2 =	simm.s32 $0x2;
	[bflag:$0x0] =	sbarrier.arrive $0xFFFF  }
0x42: {  	s30 =	simm.s32 $0x1;
	[sflag:s2] =	ssyncpa.u1 $0x1  }
0x43: {  	[sflag:s30] =	ssyncpa.u1 $0x1  }
0x44: {  	_ =	sfence.stream.spmem  }
0x45: {  	s31 =	simm.s32 $0x3D;
	[bflag:$0x0] =	sbarrier.arrive $0xFFFF  }
0x46: {  	s2 =	simm.s32 @p0 $0x3D;
	[sflag:s31] =	ssyncpa.u1 $0x0  }
0x47: {  	[sflag:s2] =	ssyncpa.u1 @p0 $0x1  }
0x48: {  	[bflag:$0x0] =	sbarrier.arrive @p0 $0xFFFF  }
0x49: {  	_ =	strace @p0 $0x9000004D  }
0x4a: {  	s3 =	simm.s32 @!p0 $0x1C3D;
	s2 =	simm.s32 @!p0 $0x0;
	[bflag:$0x2] =	sbarrier.arrive @p0 $0xFFFF  }
0x4b: {  	[hbm:s1], [sflag:s3] =	dma.local @!p0 [spmem:s2], $0x5000  }
0x4c: {  	s1 =	simm.s32 @!p0 $0x3D  }
0x4d: {  	_ =	swait.ge @!p0 [sflag:s1], $0x5000  }
0x4e: {  	[sflag:s1] =	ssyncset.done @!p0 $0x0  }
0x4f: {  	[sflag:s1] =	ssyncadd.s32 @!p0 $0xFFFFB000  }
0x50: {  	[sflag:s1] =	ssyncpa.u1 @!p0 $0x1  }
0x51: {  	[bflag:$0x0] =	sbarrier.arrive @!p0 $0xFFFF  }
0x52: {  	_ =	strace @!p0 $0x9000004D  }
0x53: {  	s0 =	sadd.s32 @!p0 $0x100000, s0;
	[bflag:$0x2] =	sbarrier.arrive @!p0 $0xFFFF  }
0x54: {  	[sflag:s0] =	ssyncadd.tile.s32 @!p0 $0x1;
	_ =	shalt  }
.Lfunc_end2:
_tile_overlayer_lowered:
.L_overlay_start_2:
0x55: {  	(tag) =	ssettag $0x2  }
0x56: {  	s0 =	rddreg [dreg:$0x0];
	s2 =	stileid.u32  }
0x57: {  	s1 =	rddreg [dreg:$0x1];
	p0 =	sne.s32 s2, $0x0  }
0x58: {  	s3 =	rddreg [dreg:$0x2];
	[bflag:$0x3] =	sbarrier.arrive $0xFFFF;
	s2 =	simm.s32 @!p0 $0x1C01  }
0x59: {  	[timem:s3], [sflag:s2] =	dma.local @!p0 [hbm:s0], s1  }
0x5a: {  	s0 =	simm.s32 @!p0 $0x1  }
0x5b: {  	_ =	swait.ge @!p0 [sflag:s0], s1  }
0x5c: {  	s1 =	ssub.s32 @!p0 $0x0, s1;
	[sflag:s0] =	ssyncset.done @!p0 $0x0  }
0x5d: {  	[sflag:s0] =	ssyncadd.s32 @!p0 s1  }
0x5e: {  	[bflag:$0x3] =	sbarrier.arrive $0xFFFF  }
0x5f: {  	_ =	shalt  }

// kernel: scatter_offload_async_start
scs
__scs_entry_jumppad:
0x0: {  	(pc) =	sbr.rel $0x88, $3  }
0x1: {  	(tag) =	ssettag $0x0;
	lr =	simm.s32 $0x1  }
0x2: {  	[smem:$0x3F91] =	sst lr;
	_ =	strace $0xD0000000  }
0x3: {  	_ = 	snop  }
0x4: {  	_ = 	snop  }
0x5: {  	_ = 	snop  }
0x6: {  	_ = 	snop  }
0x7: {  	_ = 	snop  }
__scs_overlays_trampoline_lowered:
0x8: {  	[smem:$0x3FA0] =	sst s0  }
0x9: {  	[smem:$0x3FA1] =	sst s1  }
0xa: {  	[smem:$0x3FA2] =	sst s2  }
0xb: {  	[smem:$0x3FA3] =	sst s3  }
0xc: {  	[smem:$0x3FA4] =	sst s4  }
0xd: {  	[smem:$0x3FA5] =	sst s5  }
0xe: {  	[smem:$0x3FA6] =	sst s6  }
0xf: {  	[smem:$0x3FA7] =	sst s7  }
0x10: {  	[smem:$0x3FA8] =	sst s8  }
0x11: {  	[smem:$0x3FA9] =	sst s9;
	s0 =	simm.s32 @!p0 $0x0  }
0x12: {  	s1 =	sld [smem:$0x3F8F];
	s0 =	simm.s32 @p0 $0x1  }
0x13: {  	[smem:$0x3FAA] =	sst s0;
	s0 =	simm.s32 @!p1 $0x0  }
0x14: {  	s2 =	sld [smem:$0x3F8E];
	s0 =	simm.s32 @p1 $0x1  }
0x15: {  	[smem:$0x3FAB] =	sst s0;
	s0 =	simm.s32 @!p2 $0x0  }
0x16: {  	s3 =	sld [smem:$0x3FDB];
	s0 =	simm.s32 @p2 $0x1  }
0x17: {  	s4 =	simm.s32 $0x1BF5;
	[smem:$0x3FAD] =	sst s0  }
0x18: {  	s0 =	sld [smem:$0x3F90];
	_ =	swait.ge [sflag:s4], $0x0  }
0x19: {  	s7 =	sld [smem:$0x3F91]  }
0x1a: {  	s8 =	sadd.s32 $0xFFFFE003, lr  }
0x1b: {  	s9 =	sadd.s32 $0xFFFFFEF7, lr;
	s5 =	simm.s32 $0xFFFFFFFF;
	p2 =	slt.u32 s8, $0xFFFFF086  }
0x1c: {  	p1 =	slt.u32 s9, $0xF7A;
	s5 =	simm.s32 @!p2 $0x0  }
0x1d: {  	s5 =	simm.s32 @p1 $0x1;
	p0 =	seq.s32 s7, s2  }
0x1e: {  	s7 =	smul.u32 @!p0 $0xF7A, s2;
	p2 =	seq.s32 @!p0 s5, $0x0  }
0x1f: {  	s9 =	smul.u32 $0xF7A, s1;
	s8 =	simm.s32 @!p0 $0x1BF5;
	p2 =	por !p2, p0  }
0x20: {  	[sflag:s8] =	ssyncset.s32 @!p0 $0xFFFFF086;
	s6 =	sadd.s32 @!p0 s3, s7;
	s7 =	simm.s32 @!p0 $0x108  }
0x21: {  	s3 =	sadd.s32 s3, s9;
	s6 =	sadd.s32 @!p0 $0x88, s6;
	s7 =	simm.s32 @p2 $0x1082  }
0x22: {  	[simem:s7], [sflag:s8] =	dma.local @!p0 [hbm:s6], $0xF7A  }
0x23: {  	s9 =	sor.u32 $0xD0000000, s2;
	s6 =	simm.s32 $0x108;
	_ =	swait.ge @!p0 [sflag:s8], $0x0  }
0x24: {  	s3 =	sadd.s32 $0x88, s3;
	s6 =	simm.s32 @!p1 $0x1082;
	[sflag:s4] =	ssyncset.s32 $0xFFFFF086  }
0x25: {  	[simem:s6], [sflag:s4] =	dma.local [hbm:s3], $0xF7A  }
0x26: {  	[smem:$0x3F91] =	sst s1;
	(tag) =	ssettag s2;
	_ =	strace s9  }
0x27: {  	s1 =	sld [smem:$0x3FA1]  }
0x28: {  	s2 =	sld [smem:$0x3FA2]  }
0x29: {  	s4 =	sld [smem:$0x3FA4]  }
0x2a: {  	p0 =	seq.s32 s5, $0x0;
	s5 =	sld [smem:$0x3FA5]  }
0x2b: {  	s6 =	sld [smem:$0x3FA6]  }
0x2c: {  	s7 =	sld [smem:$0x3FA7]  }
0x2d: {  	s3 =	simm.s32 $0x108;
	s8 =	sld [smem:$0x3FA8]  }
0x2e: {  	s3 =	simm.s32 @!p0 $0x1082;
	s9 =	sld [smem:$0x3FA9]  }
0x2f: {  	lr =	sadd.s32 s0, s3;
	s0 =	sld [smem:$0x3FA0]  }
0x30: {  	s3 =	sld [smem:$0x3FA3]  }
0x31: {  	[smem:$0x3FAC] =	sst s10  }
0x32: {  	s10 =	sld [smem:$0x3FAA];
	_ =	sdelay $0x3  }
0x33: {  	p0 =	seq.s32 s10, $0x1;
	s10 =	sld [smem:$0x3FAC];
	_ =	sdelay $0x3  }
0x34: {  	[smem:$0x3FAC] =	sst s10  }
0x35: {  	s10 =	sld [smem:$0x3FAB];
	_ =	sdelay $0x3  }
0x36: {  	p1 =	seq.s32 s10, $0x1;
	s10 =	sld [smem:$0x3FAC];
	_ =	sdelay $0x3  }
0x37: {  	[smem:$0x3FAC] =	sst s10  }
0x38: {  	s10 =	sld [smem:$0x3FAD]  }
0x39: {  	_ = 	snop;
	(pc) =	sbr.ind lr, $3  }
0x3a: {  	_ = 	snop  }
0x3b: {  	_ = 	snop  }
0x3c: {  	p2 =	seq.s32 s10, $0x1;
	s10 =	sld [smem:$0x3FAC]  }
0x3d: {  	_ =	shalt  }
0x3e: {  	_ =	shalt  }
0x3f: {  	_ =	shalt  }
0x40: {  	_ =	shalt  }
0x41: {  	_ =	shalt  }
0x42: {  	_ =	shalt  }
0x43: {  	_ =	shalt  }
0x44: {  	_ =	shalt  }
0x45: {  	_ =	shalt  }
0x46: {  	_ =	shalt  }
0x47: {  	_ =	shalt  }
0x48: {  	_ =	shalt  }
0x49: {  	_ =	shalt  }
0x4a: {  	_ =	shalt  }
0x4b: {  	_ =	shalt  }
0x4c: {  	_ =	shalt  }
0x4d: {  	_ =	shalt  }
0x4e: {  	_ =	shalt  }
0x4f: {  	_ =	shalt  }
0x50: {  	_ =	shalt  }
0x51: {  	_ =	shalt  }
0x52: {  	_ =	shalt  }
0x53: {  	_ =	shalt  }
0x54: {  	_ =	shalt  }
0x55: {  	_ =	shalt  }
0x56: {  	_ =	shalt  }
0x57: {  	_ =	shalt  }
0x58: {  	_ =	shalt  }
0x59: {  	_ =	shalt  }
0x5a: {  	_ =	shalt  }
0x5b: {  	_ =	shalt  }
0x5c: {  	_ =	shalt  }
0x5d: {  	_ =	shalt  }
0x5e: {  	_ =	shalt  }
0x5f: {  	_ =	shalt  }
0x60: {  	_ =	shalt  }
0x61: {  	_ =	shalt  }
0x62: {  	_ =	shalt  }
0x63: {  	_ =	shalt  }
0x64: {  	_ =	shalt  }
0x65: {  	_ =	shalt  }
0x66: {  	_ =	shalt  }
0x67: {  	_ =	shalt  }
0x68: {  	_ =	shalt  }
0x69: {  	_ =	shalt  }
0x6a: {  	_ =	shalt  }
0x6b: {  	_ =	shalt  }
0x6c: {  	_ =	shalt  }
0x6d: {  	_ =	shalt  }
0x6e: {  	_ =	shalt  }
0x6f: {  	_ =	shalt  }
0x70: {  	_ =	shalt  }
0x71: {  	_ =	shalt  }
0x72: {  	_ =	shalt  }
0x73: {  	_ =	shalt  }
0x74: {  	_ =	shalt  }
0x75: {  	_ =	shalt  }
0x76: {  	_ =	shalt  }
0x77: {  	_ =	shalt  }
0x78: {  	_ =	shalt  }
0x79: {  	_ =	shalt  }
0x7a: {  	_ =	shalt  }
0x7b: {  	_ =	shalt  }
0x7c: {  	_ =	shalt  }
0x7d: {  	_ =	shalt  }
0x7e: {  	_ =	shalt  }
0x7f: {  	_ =	shalt  }
0x80: {  	_ =	shalt  }
0x81: {  	_ =	shalt  }
0x82: {  	_ =	shalt  }
0x83: {  	_ =	shalt  }
0x84: {  	_ =	shalt  }
0x85: {  	_ =	shalt  }
0x86: {  	_ =	shalt  }
0x87: {  	_ =	shalt  }
.Lfunc_end0:
.L_simem_size_0:
called_computation_lowered:
.L_overlay_start_0:
0x88: {  	s0 =	sld [smem:$0x3FD9]  }
0x89: {  	s1 =	sld [smem:$0x3FFE];
	_ =	sdelay $0x3  }
0x8a: {  	s0 =	sadd.s32 s1, s0  }
0x8b: {  	[smem:$0x3FB8] =	sst s0  }
0x8c: {  	_ = 	snop  }
0x8d: {  	(tm) =	ssettm $0x1  }
0x8e: {  	s15 =	sld [smem:$0x3FFB];
	_ =	sdelay $0x3  }
0x8f: {  	_ =	strace s15  }
0x90: {  	s0 =	sld [smem:$0x3FFC];
	_ =	sdelay $0x3  }
0x91: {  	_ =	strace s0  }
0x92: {  	s0 =	sld [smem:$0x3FFD];
	_ =	sdelay $0x3  }
0x93: {  	_ =	strace s0  }
0x94: {  	_ =	strace $0x8FFFFFFF  }
0x95: {  	s16 =	sld [smem:$0x3FDB];
	_ =	sdelay $0x1  }
0x96: {  	s17 =	simm.s32 $_scs_section_size  }
0x97: {  	s2 =	simm.s32 $_size__tile_overlayer_lowered;
	s3 =	simm.s32 $_tile_overlayer_lowered  }
0x98: {  	s20 =	simm.s32 $0x1BFF;
	s19 =	sshll.u32 s3, $0x1;
	s0 =	sadd.s32 s17, s16  }
0x99: {  	s4 =	simm.s32 $0x0;
	s18 =	sshll.u32 s2, $0x1;
	s2 =	sadd.s32 s19, s0  }
0x9a: {  	[timem:s4], [sflag:s20] =	dma.local [hbm:s2], s18  }
0x9b: {  	_ =	swait.ge [sflag:s20], s18  }
0x9c: {  	s1 =	ssub.s32 $0x0, s18;
	[sflag:s20] =	ssyncset.done $0x0  }
0x9d: {  	[sflag:s20] =	ssyncadd.s32 s1;
	_ =	sdelay $0x1  }
0x9e: {  	s21 =	simm.s32 $0x1B8B  }
0x9f: {  	_ =	swait.ge [sflag:s21], $0x1  }
0xa0: {  	[sflag:s21] =	ssyncset.done $0x0  }
0xa1: {  	s23 =	simm.s32 $0x1B8E;
	s22 =	sld [smem:$0x3FFE];
	[sflag:s21] =	ssyncadd.s32 $0xFFFFFFFF  }
0xa2: {  	s24 =	simm.s32 $execute0_lowered;
	[smem:$0x3FD2] =	sst s23  }
0xa3: {  	s2 =	sshll.u32 s24, $0x1;
	_ =	strace $0x80000046;
	[dreg:$0x1] =	wrdreg $0xFFFFFFFF  }
0xa4: {  	s25 =	simm.s32 $_size_execute0_lowered;
	s0 =	sadd.s32 s0, s2;
	[dreg:$0x0] =	wrdreg $0x0  }
0xa5: {  	s2 =	sshll.u32 s25, $0x1;
	[dreg:$0x2] =	wrdreg s0  }
0xa6: {  	[dreg:$0x3] =	wrdreg s2  }
0xa7: {  	[dreg:$0x4] =	wrdreg $0xC0  }
0xa8: {  	_ =	task [dreg:s4], $0x5FFFF  }
0xa9: {  	[dreg:$0x1] =	wrdreg $0xFFFFFFFF  }
0xaa: {  	[dreg:$0x0] =	wrdreg $0x60  }
0xab: {  	[dreg:$0x2] =	wrdreg s22  }
0xac: {  	[dreg:$0x3] =	wrdreg $0x9  }
0xad: {  	_ =	task.clear_ibuf [dreg:s4], $0x4FFFF;
	_ =	strace $0x90000046  }
0xae: {  	s26 =	simm.s32 $0x9;
	_ =	strace $0x80000048  }
0xaf: {  	_ =	swait.ge [sflag:s26], $0x1  }
0xb0: {  	[sflag:s26] =	ssyncadd.s32 $0xFFFFFFFF  }
0xb1: {  	_ =	strace $0x90000048  }
0xb2: {  	_ =	sfence  }
0xb3: {  	s28 =	sld [smem:$0x0];
	_ =	sdelay $0x1  }
0xb4: {  	s29 =	srdreg.scid  }
0xb5: {  	s30 =	sshll.u32 s29, $0xD;
	s31 =	sshrl.u32 s29, $0x2  }
0xb6: {  	s1 =	sand.u32 $0x1, s29;
	s2 =	sand.u32 $0x4000, s30;
	s0 =	sadd.s32 s31, s28  }
0xb7: {  	s1 =	sor.u32 s2, s1;
	s0 =	sshll.u32 s0, $0x11  }
0xb8: {  	s0 =	sor.u32 s0, s1  }
0xb9: {  	s0 =	sadd.s32 $0x8F2B, s0  }
0xba: {  	[sflag:s0] =	ssyncadd.remote.s32 $0x1  }
0xbb: {  	_ =	sfence.sel $0xFFFF  }
0xbc: {  	[dreg:$0x0] =	wrdreg $0xFFFFFFFF;
	(pc) =	sbr.abs _section_cstart, $3  }
0xbd: {  	[dreg:$0x1] =	wrdreg $0xFFFFFFFF  }
0xbe: {  	_ =	task.clear_ibuf [dreg:s4], $0x2FFFF;
	_ =	strace $0x9FFFFFFF  }
0xbf: {  	(tm) =	ssettm $0x7FFFFFFF  }
tec
execute0_lowered:
.L_overlay_start_1:
0x0: {  	(tag) =	ssettag $0x1  }
0x1: {  	s2 =	rddreg [dreg:$0x0]  }
0x2: {  	s0 =	rddreg [dreg:$0x1]  }
0x3: {  	_ =	strace $0x80000047;
	s4 =	stileid.u32;
	s5 =	simm.s32 $0x3E  }
0x4: {  	s1 =	sadd.s32 $0x1D200, s2;
	p0 =	sne.s32 s4, $0x0;
	[sflag:s5] =	ssyncpa.u1 $0x0  }
0x5: {  	s30 =	smin.u32 s4, $0x4;
	s3 =	simm.s32 @!p0 $0x1C3E;
	s6 =	simm.s32 @!p0 $0x0  }
0x6: {  	[spmem:s6], [sflag:s3] =	dma.local @!p0 [hbm:s1], $0x500  }
0x7: {  	s3 =	sadd.s32 s4, s30  }
0x8: {  	p1 =	slt.u32 s4, $0x4;
	s4 =	simm.s32 $0x3E80;
	s3 =	smul.u32 $0x1F40, s3  }
0x9: {  	s4 =	simm.s32 @!p1 $0x1F40  }
0xa: {  	s4 =	sadd.s32 s4, s3  }
0xb: {  	s4 =	smin.u32 s4, $0x27100  }
0xc: {  	s7 =	ssub.s32 s4, s3  }
0xd: {  	p1 =	sgt.s32 s7, $0x0  }
0xe: {  	s7 =	simm.s32 @!p1 $0x0  }
0xf: {  	s6 =	simm.s32 @!p0 $0x3E;
	s31 =	smulhi.u32 $0x10624DD3, s7  }
0x10: {  	_ =	swait.ge @!p0 [sflag:s6], $0x500  }
0x11: {  	[sflag:s6] =	ssyncset.done @!p0 $0x0;
	s8 =	sshrl.u32 s31, $0x9  }
0x12: {  	s11 =	simm.s32 $0x0;
	[sflag:s6] =	ssyncadd.s32 @!p0 $0xFFFFFB00;
	s9 =	smul.u32 $0x1F40, s8  }
.Ltmp0:
0x13: {  	s6 =	simm.s32 $0x2;
	[bflag:$0x0] =	sbarrier.arrive $0xFFFF;
	(pc) =	sbr.rel .LBB2_1-.Ltmp0, $4  }
0x14: {  	s10 =	smov.u32 s3;
	[sflag:s5] =	ssyncpa.u1 $0x1;
	s5 =	simm.s32 $0x1  }
0x15: {  	[sflag:s5] =	ssyncpa.u1 $0x0;
	p1 =	sne.s32 s7, s9;
	s9 =	simm.s32 $0x1  }
0x16: {  	(ifvalue) =	ssetifvalue $0x2800;
	[sflag:s6] =	ssyncpa.u1 $0x0;
	s9 =	simm.s32 @!p1 $0x0  }
0x17: {  	vm0 =	vmmov $0xffff;
	s7 =	sadd.s32 $0x18200, s2;
	s8 =	sadd.s32 s9, s8;
	s9 =	simm.s32 $0x0  }
.LBB2_5:
0x18: {  	p2 =	sne.s32 s11, s8  }
.Ltmp1:
0x19: {  	_ = 	snop;
	(pc) =	sbr.rel @!p2 .LBB2_6-.Ltmp1, $4  }
0x1a: {  	_ = 	snop  }
0x1b: {  	s12 =	sadd.s32 $0x1F40, s10  }
0x1c: {  	s10 =	smov.u32 s3;
	s13 =	sadd.s32 $0x1, s11;
	p1 =	slt.s32 s12, s4  }
0x1d: {  	s11 =	smov.u32 s13;
	s10 =	smov.u32 @p1 s12  }
.LBB2_1:
0x1e: {  	p1 =	sge.u32 s11, s8  }
0x1f: {  	s12 =	sxor.u32 @!p1 $0xFFFFFFFF, s11  }
0x20: {  	s12 =	sand.u32 @!p1 $0x1, s12  }
0x21: {  	s12 =	smul.u32 @!p1 $0x1F40, s12  }
0x22: {  	s13 =	sshrl.u32 @!p1 s10, $0x3  }
0x23: {  	s16 =	sand.u32 @!p1 $0x7, s10;
	s14 =	sadd.s32 @!p1 s2, s13;
	s15 =	sadd.s32 @!p1 $0x280, s12  }
0x24: {  	[tilespmem:s15], [sflag:$0x2] =	stream.linear.gather @!p1 [hbm4b:s14+s16], $0x1F40, $0x38;
	[tilespmem:$0x7F80] =	vst v63  }
0x25: {  	s13 =	sadd.s32 @!p1 s7, s13;
	s12 =	sadd.s32 @!p1 $0x4100, s12  }
0x26: {  	[tilespmem:s12], [sflag:$0x2] =	stream.linear.gather @!p1 [hbm4b:s13+s16], $0x1F40, $0x38;
	[tilespmem:$0x7F80] =	vst v63  }
0x27: {  	p1 =	seq.s32 s11, $0x0  }
.Ltmp2:
0x28: {  	_ = 	snop;
	(pc) =	sbr.rel @p1 .LBB2_5-.Ltmp2, $1  }
0x29: {  	_ =	sdelay $0x3  }
0x2a: {  	s12 =	sand.u32 $0x1, s11  }
0x2b: {  	_ =	swait.ge [sflag:s6], $0x3E80;
	p1 =	seq.s32 s12, $0x1;
	s12 =	simm.s32 $0x1F40  }
0x2c: {  	[sflag:s6] =	ssyncset.done $0x0;
	s12 =	simm.s32 @!p1 $0x0  }
0x2d: {  	[sflag:s6] =	ssyncadd.s32 $0xFFFFC180;
	s14 =	sadd.s32 $0x280, s12  }
0x2e: {  	v0 =	vld.msk [tilespmem:s14+$0x0 ss:$0x1], $0xffff;
	_ =	sdelay $0x4  }
0x2f: {  	v0 =	vmin.u32 v0, $0x2800;
	_ =	sdelay $0x3  }
0x30: {  	s13 =	simm.s32 $0x0;
	s12 =	sadd.s32 $0x4100, s12;
	s14 =	sadd.s32 $0x10, s14  }
0x31: {  	[spmem:s9] =	stream.indirect_vreg.scatter.add.s32 [tilespmem:s12], [sflag:$0x1], $0x1, v0, vm0, $0x4038;
	[tilespmem:$0x7F80] =	vst v63  }
.LBB2_3:
0x32: {  	v0 =	vld.msk [tilespmem:s14+$0x0 ss:$0x1], $0xffff;
	s13 =	sadd.s32 $0x10, s13  }
0x33: {  	p1 =	slt.u32 s13, $0x1F30;
	_ =	sdelay $0x4  }
0x34: {  	v0 =	vmin.u32 v0, $0x2800  }
.Ltmp3:
0x35: {  	(pc) =	sbr.rel @p1 .LBB2_3-.Ltmp3, $3  }
0x36: {  	_ =	sdelay $0x1  }
0x37: {  	s14 =	sadd.s32 $0x10, s14;
	s12 =	sadd.s32 $0x10, s12  }
0x38: {  	[spmem:s9] =	stream.indirect_vreg.scatter.add.s32 [tilespmem:s12], [sflag:$0x1], $0x1, v0, vm0, $0x4038;
	[tilespmem:$0x7F80] =	vst v63  }
.Ltmp4:
0x39: {  	(pc) =	sbr.rel .LBB2_5-.Ltmp4, $4  }
0x3a: {  	_ = 	snop  }
0x3b: {  	_ =	swait.ge [sflag:s5], $0x1F40  }
0x3c: {  	[sflag:s5] =	ssyncset.done $0x0  }
0x3d: {  	[sflag:s5] =	ssyncadd.s32 $0xFFFFE0C0  }
.LBB2_6:
0x3e: {  	_ =	sfence.sel $0x180000  }
0x3f: {  	s2 =	simm.s32 $0x2;
	[bflag:$0x0] =	sbarrier.arrive $0xFFFF  }
0x40: {  	s30 =	simm.s32 $0x1;
	[sflag:s2] =	ssyncpa.u1 $0x1  }
0x41: {  	[sflag:s30] =	ssyncpa.u1 $0x1  }
0x42: {  	_ =	sfence.stream.spmem  }
0x43: {  	s31 =	simm.s32 $0x3D;
	[bflag:$0x0] =	sbarrier.arrive $0xFFFF  }
0x44: {  	s2 =	simm.s32 @p0 $0x3D;
	[sflag:s31] =	ssyncpa.u1 $0x0  }
0x45: {  	[sflag:s2] =	ssyncpa.u1 @p0 $0x1  }
0x46: {  	[bflag:$0x0] =	sbarrier.arrive @p0 $0xFFFF  }
0x47: {  	_ =	strace @p0 $0x90000047  }
0x48: {  	s3 =	simm.s32 @!p0 $0x1C3D;
	s2 =	simm.s32 @!p0 $0x0;
	[bflag:$0x2] =	sbarrier.arrive @p0 $0xFFFF  }
0x49: {  	[hbm:s1], [sflag:s3] =	dma.local @!p0 [spmem:s2], $0x500  }
0x4a: {  	s1 =	simm.s32 @!p0 $0x3D  }
0x4b: {  	_ =	swait.ge @!p0 [sflag:s1], $0x500  }
0x4c: {  	[sflag:s1] =	ssyncset.done @!p0 $0x0  }
0x4d: {  	[sflag:s1] =	ssyncadd.s32 @!p0 $0xFFFFFB00  }
0x4e: {  	[sflag:s1] =	ssyncpa.u1 @!p0 $0x1  }
0x4f: {  	[bflag:$0x0] =	sbarrier.arrive @!p0 $0xFFFF  }
0x50: {  	_ =	strace @!p0 $0x90000047  }
0x51: {  	s0 =	sadd.s32 @!p0 $0x100000, s0;
	[bflag:$0x2] =	sbarrier.arrive @!p0 $0xFFFF  }
0x52: {  	[sflag:s0] =	ssyncadd.tile.s32 @!p0 $0x1;
	_ =	shalt  }
.Lfunc_end2:
_tile_overlayer_lowered:
.L_overlay_start_2:
0x53: {  	(tag) =	ssettag $0x2  }
0x54: {  	s0 =	rddreg [dreg:$0x0];
	s2 =	stileid.u32  }
0x55: {  	s1 =	rddreg [dreg:$0x1];
	p0 =	sne.s32 s2, $0x0  }
0x56: {  	s3 =	rddreg [dreg:$0x2];
	[bflag:$0x3] =	sbarrier.arrive $0xFFFF;
	s2 =	simm.s32 @!p0 $0x1C01  }
0x57: {  	[timem:s3], [sflag:s2] =	dma.local @!p0 [hbm:s0], s1  }
0x58: {  	s0 =	simm.s32 @!p0 $0x1  }
0x59: {  	_ =	swait.ge @!p0 [sflag:s0], s1  }
0x5a: {  	s1 =	ssub.s32 @!p0 $0x0, s1;
	[sflag:s0] =	ssyncset.done @!p0 $0x0  }
0x5b: {  	[sflag:s0] =	ssyncadd.s32 @!p0 s1  }
0x5c: {  	[bflag:$0x3] =	sbarrier.arrive $0xFFFF  }
0x5d: {  	_ =	shalt  }

</sc_bundles>
